<compile_context>
chip_gen: v7x
topology: tpu7x:2x2x1
jax: 0.10.2.dev20260603
libtpu: 0.0.44.dev20260713+nightly
codegen_flags: <defaults>
</compile_context>

<pallas_src>
import functools

import jax
import jax.numpy as jnp
from jax import lax
from jax.experimental import pallas as pl
from jax.experimental.pallas import tpu as pltpu
from jax.experimental.pallas import tpu_sc as plsc

N_CODES = 1024
K_DIM = 64
LANES = 128

TOK_BLOCK = 1024

NUM_CORES = 2
NUM_SUBCORES = 16
NUM_WORKERS = NUM_CORES * NUM_SUBCORES
IDX_CHUNK = 128


SUB_TOK = 128


def _argmin_block(x_ref, cb_ref, idx_ref):
    x = x_ref[...]
    cb = cb_ref[...]
    cb2 = cb + cb
    sim2 = lax.dot_general(x, cb2, (((1,), (0,)), ((), ())),
                           preferred_element_type=jnp.float32)
    fn = jnp.sum(x * x, axis=1, keepdims=True)
    cn = jnp.sum(cb * cb, axis=0, keepdims=True)
    iota = lax.broadcasted_iota(jnp.int32, (SUB_TOK, LANES), 1).astype(jnp.float32)
    for s in range(TOK_BLOCK // SUB_TOK):
        ts = slice(s * SUB_TOK, (s + 1) * SUB_TOK)
        fn_s = fn[ts]
        m = (fn_s + cn[:, :LANES]) - sim2[ts, :LANES]
        bc = jnp.zeros((SUB_TOK, LANES), jnp.float32)
        for c in range(1, N_CODES // LANES):
            sl = slice(c * LANES, (c + 1) * LANES)
            d_c = (fn_s + cn[:, sl]) - sim2[ts, sl]
            upd = d_c < m
            m = jnp.where(upd, d_c, m)
            bc = jnp.where(upd, jnp.float32(c), bc)
        g = bc * LANES + iota
        m_row = jnp.min(m, axis=1, keepdims=True)
        idx = jnp.min(jnp.where(m == m_row, g, jnp.float32(N_CODES)), axis=1)
        rows = SUB_TOK // LANES
        idx_ref[pl.ds(s * rows, rows), :] = (
            idx.astype(jnp.int32).reshape(rows, LANES))


def _tc_argmin(flat, codebook):
    t = flat.shape[0]
    grid = t // TOK_BLOCK
    return pl.pallas_call(
        _argmin_block,
        grid=(grid,),
        in_specs=[
            pl.BlockSpec((TOK_BLOCK, K_DIM), lambda i: (i, 0)),
            pl.BlockSpec((K_DIM, N_CODES), lambda i: (0, 0)),
        ],
        out_specs=pl.BlockSpec((TOK_BLOCK // LANES, LANES), lambda i: (i, 0)),
        out_shape=jax.ShapeDtypeStruct((t // LANES, LANES), jnp.int32),
    )(flat, codebook)


def _make_sc_gather(t):
    b_per_w = t // NUM_WORKERS
    n_chunks = b_per_w // IDX_CHUNK
    mesh = plsc.VectorSubcoreMesh(core_axis_name="c", subcore_axis_name="s")

    @functools.partial(
        pl.kernel,
        mesh=mesh,
        out_type=jax.ShapeDtypeStruct((t, K_DIM), jnp.float32),
        scratch_types=[
            pltpu.VMEM((n_chunks, IDX_CHUNK), jnp.int32),
            pltpu.VMEM((b_per_w, K_DIM), jnp.float32),
            pltpu.SemaphoreType.DMA,
        ],
        compiler_params=pltpu.CompilerParams(use_tc_tiling_on_sc=False),
    )
    def sc_gather(table_hbm, idx_hbm, out_hbm, idx_v, rows_v, sem):
        wid = lax.axis_index("s") * NUM_CORES + lax.axis_index("c")
        pltpu.sync_copy(idx_hbm.at[pl.ds(wid * n_chunks, n_chunks)], idx_v)
        copies = [
            pltpu.async_copy(
                table_hbm.at[idx_v.at[j]],
                rows_v.at[pl.ds(j * IDX_CHUNK, IDX_CHUNK)],
                sem,
            )
            for j in range(n_chunks)
        ]
        for c in copies:
            c.wait()
        pltpu.sync_copy(rows_v, out_hbm.at[pl.ds(wid * b_per_w, b_per_w)])

    return sc_gather


def kernel(z, codebook):
    input_shape = z.shape
    flat = z.reshape(-1, K_DIM)
    t = flat.shape[0]
    idx = _tc_argmin(flat, codebook)
    table = codebook.T
    q = _make_sc_gather(t)(table, idx)
    return q.reshape(input_shape)

# --- scband reference (transcript-rebuilt; emitter-appended) ---
"""Pipeline reference for scband-vq-24378234372331 (READ-ONLY COPY).

The authoritative reference and input builder live on the scoring server;
editing this copy changes nothing except your own understanding.
"""

import jax, jax.numpy as jnp
import numpy as np

N_CODES = 1024  # N in the module: number of codebook entries
K_DIM = 64      # K in the module: code dimension

def setup_inputs(seed: int = 0) -> dict:
    key = jax.random.key(seed)
    k1, k2 = jax.random.split(key)
    z = jax.random.normal(k1, (64, 24, 24, K_DIM), dtype=jnp.float32)
    # tf.random_uniform_initializer() defaults to U(-0.05, 0.05)
    codebook = jax.random.uniform(k2, (K_DIM, N_CODES), minval=-0.05, maxval=0.05, dtype=jnp.float32)
    return {"z": z, "codebook": codebook}

def get_code_indices(flat, codebook):
    # flat: [T, K], codebook: [K, N]
    sim = flat @ codebook  # [T, N]
    distances = (jnp.sum(flat ** 2, axis=1, keepdims=True)
                 + jnp.sum(codebook ** 2, axis=0)
                 - 2.0 * sim)
    return jnp.argmin(distances, axis=1)

def reference(z, codebook):
    input_shape = z.shape
    flat = z.reshape(-1, K_DIM)
    idx = get_code_indices(flat, codebook)
    oh = jax.nn.one_hot(idx, N_CODES, dtype=flat.dtype)  # [T, N]
    q_enc = (oh @ codebook.T).reshape(input_shape)       # [T, K] -> input_shape
    # straight-through estimator output (same as the keras call return value)
    out = z + jax.lax.stop_gradient(q_enc - z)
    return out

if __name__ == "__main__":
    import jax
    _d = setup_inputs()
    print(jax.jit(kernel)(*tuple(_d.values())))

</pallas_src>

<mosaic_0001>
#map = affine_map<(d0, d1) -> (0, 0)>
module attributes {stable_mosaic.version = 14 : i64} {
  func.func @sc_gather(%arg0: i32, %arg1: i32, %arg2: memref<1024x64xf32, #tpu.memory_space<hbm>>, %arg3: memref<288x128xi32, #tpu.memory_space<hbm>>, %arg4: memref<36864x64xf32, #tpu.memory_space<hbm>>, %arg5: memref<9x128xi32, #tpu.memory_space<vmem>>, %arg6: memref<1152x64xf32, #tpu.memory_space<vmem>>, %arg7: memref<!tpu.dma_semaphore, #tpu.memory_space<semaphore_mem>>) attributes {dimension_semantics = [#tpu.dimension_semantics<core_parallel>, #tpu.dimension_semantics<subcore_parallel>], iteration_bounds = array<i64: 2, 16>, scalar_prefetch = 0 : i64, scratch_operands = 3 : i64, tpu.core_type = #tpu.core_type<sc_vector_subcore>, window_params = [{transform_indices = #map}, {transform_indices = #map}, {transform_indices = #map}]} {
    %mul3A = arith.constant 2 : i32
    %mul3A_0 = arith.muli %arg1, %mul3A : i32
    %add3A = arith.addi %mul3A_0, %arg0 : i32
    %mul3A_1 = arith.constant 9 : i32
    %mul3A_2 = arith.muli %add3A, %mul3A_1 : i32
    "tpu.region"() ({
      %run_scoped3A = tpu.sem_alloc : memref<!tpu.dma_semaphore, #tpu.memory_space<semaphore_mem>>
      %dma_start3A_183 = arith.constant 0 : i32
      %dma_start3A_184 = tpu.memref_slice %arg3[%mul3A_2, %dma_start3A_183] : memref<288x128xi32, #tpu.memory_space<hbm>> -> memref<9x128xi32, #tpu.memory_space<hbm>>
      %dma_start3A_185 = arith.constant 0 : i32
      %dma_start3A_186 = tpu.memref_slice %arg3[%mul3A_2, %dma_start3A_185] : memref<288x128xi32, #tpu.memory_space<hbm>> -> memref<9x128xi32, #tpu.memory_space<hbm>>
      tpu.enqueue_dma source(%dma_start3A_186 : memref<9x128xi32, #tpu.memory_space<hbm>>) target(%arg5 : memref<9x128xi32, #tpu.memory_space<vmem>>) target_semaphore(%run_scoped3A : memref<!tpu.dma_semaphore, #tpu.memory_space<semaphore_mem>>)
      %dma_wait3A_187 = arith.constant 0 : i32
      %dma_wait3A_188 = tpu.memref_slice %arg3[%mul3A_2, %dma_wait3A_187] : memref<288x128xi32, #tpu.memory_space<hbm>> -> memref<9x128xi32, #tpu.memory_space<hbm>>
      %dma_wait3A_189 = arith.constant 0 : i32
      %dma_wait3A_190 = tpu.memref_slice %arg3[%mul3A_2, %dma_wait3A_189] : memref<288x128xi32, #tpu.memory_space<hbm>> -> memref<9x128xi32, #tpu.memory_space<hbm>>
      tpu.wait_dma2 semaphore(%run_scoped3A : memref<!tpu.dma_semaphore, #tpu.memory_space<semaphore_mem>>) src(%dma_wait3A_190 : memref<9x128xi32, #tpu.memory_space<hbm>>) dst(%arg5 : memref<9x128xi32, #tpu.memory_space<vmem>>)
      tpu.yield
    }) : () -> ()
    %dma_start3A = arith.constant 0 : i32
    %dma_start3A_3 = arith.constant 0 : i32
    %dma_start3A_4 = arith.constant 0 : i32
    %dma_start3A_5 = tpu.memref_slice %arg6[%dma_start3A_3, %dma_start3A_4] : memref<1152x64xf32, #tpu.memory_space<vmem>> -> memref<128x64xf32, #tpu.memory_space<vmem>>
    %dma_start3A_6 = arith.constant 0 : i32
    %dma_start3A_7 = tpu.memref_slice %arg5[%dma_start3A, %dma_start3A_6] : memref<9x128xi32, #tpu.memory_space<vmem>> -> memref<1x128xi32, #tpu.memory_space<vmem>>
    %dma_start3A_8 = tpu.memref_squeeze %dma_start3A_7 : memref<1x128xi32, #tpu.memory_space<vmem>> -> memref<128xi32, #tpu.memory_space<vmem>>
    %dma_start3A_9 = arith.constant 0 : i32
    %dma_start3A_10 = arith.constant 0 : i32
    %dma_start3A_11 = tpu.memref_slice %arg2[%dma_start3A_9, %dma_start3A_10] : memref<1024x64xf32, #tpu.memory_space<hbm>> -> memref<1024x64xf32, #tpu.memory_space<hbm>>
    tpu.enqueue_indirect_dma source(%dma_start3A_11 : memref<1024x64xf32, #tpu.memory_space<hbm>>) target(%dma_start3A_5 : memref<128x64xf32, #tpu.memory_space<vmem>>) offsets(%dma_start3A_8 : memref<128xi32, #tpu.memory_space<vmem>>) semaphore(%arg7 : memref<!tpu.dma_semaphore, #tpu.memory_space<semaphore_mem>>)
    %dma_start3A_12 = arith.constant 1 : i32
    %dma_start3A_13 = arith.constant 128 : i32
    %dma_start3A_14 = arith.constant 0 : i32
    %dma_start3A_15 = tpu.memref_slice %arg6[%dma_start3A_13, %dma_start3A_14] : memref<1152x64xf32, #tpu.memory_space<vmem>> -> memref<128x64xf32, #tpu.memory_space<vmem>>
    %dma_start3A_16 = arith.constant 0 : i32
    %dma_start3A_17 = tpu.memref_slice %arg5[%dma_start3A_12, %dma_start3A_16] : memref<9x128xi32, #tpu.memory_space<vmem>> -> memref<1x128xi32, #tpu.memory_space<vmem>>
    %dma_start3A_18 = tpu.memref_squeeze %dma_start3A_17 : memref<1x128xi32, #tpu.memory_space<vmem>> -> memref<128xi32, #tpu.memory_space<vmem>>
    %dma_start3A_19 = arith.constant 0 : i32
    %dma_start3A_20 = arith.constant 0 : i32
    %dma_start3A_21 = tpu.memref_slice %arg2[%dma_start3A_19, %dma_start3A_20] : memref<1024x64xf32, #tpu.memory_space<hbm>> -> memref<1024x64xf32, #tpu.memory_space<hbm>>
    tpu.enqueue_indirect_dma source(%dma_start3A_21 : memref<1024x64xf32, #tpu.memory_space<hbm>>) target(%dma_start3A_15 : memref<128x64xf32, #tpu.memory_space<vmem>>) offsets(%dma_start3A_18 : memref<128xi32, #tpu.memory_space<vmem>>) semaphore(%arg7 : memref<!tpu.dma_semaphore, #tpu.memory_space<semaphore_mem>>)
    %dma_start3A_22 = arith.constant 2 : i32
    %dma_start3A_23 = arith.constant 256 : i32
    %dma_start3A_24 = arith.constant 0 : i32
    %dma_start3A_25 = tpu.memref_slice %arg6[%dma_start3A_23, %dma_start3A_24] : memref<1152x64xf32, #tpu.memory_space<vmem>> -> memref<128x64xf32, #tpu.memory_space<vmem>>
    %dma_start3A_26 = arith.constant 0 : i32
    %dma_start3A_27 = tpu.memref_slice %arg5[%dma_start3A_22, %dma_start3A_26] : memref<9x128xi32, #tpu.memory_space<vmem>> -> memref<1x128xi32, #tpu.memory_space<vmem>>
    %dma_start3A_28 = tpu.memref_squeeze %dma_start3A_27 : memref<1x128xi32, #tpu.memory_space<vmem>> -> memref<128xi32, #tpu.memory_space<vmem>>
    %dma_start3A_29 = arith.constant 0 : i32
    %dma_start3A_30 = arith.constant 0 : i32
    %dma_start3A_31 = tpu.memref_slice %arg2[%dma_start3A_29, %dma_start3A_30] : memref<1024x64xf32, #tpu.memory_space<hbm>> -> memref<1024x64xf32, #tpu.memory_space<hbm>>
    tpu.enqueue_indirect_dma source(%dma_start3A_31 : memref<1024x64xf32, #tpu.memory_space<hbm>>) target(%dma_start3A_25 : memref<128x64xf32, #tpu.memory_space<vmem>>) offsets(%dma_start3A_28 : memref<128xi32, #tpu.memory_space<vmem>>) semaphore(%arg7 : memref<!tpu.dma_semaphore, #tpu.memory_space<semaphore_mem>>)
    %dma_start3A_32 = arith.constant 3 : i32
    %dma_start3A_33 = arith.constant 384 : i32
    %dma_start3A_34 = arith.constant 0 : i32
    %dma_start3A_35 = tpu.memref_slice %arg6[%dma_start3A_33, %dma_start3A_34] : memref<1152x64xf32, #tpu.memory_space<vmem>> -> memref<128x64xf32, #tpu.memory_space<vmem>>
    %dma_start3A_36 = arith.constant 0 : i32
    %dma_start3A_37 = tpu.memref_slice %arg5[%dma_start3A_32, %dma_start3A_36] : memref<9x128xi32, #tpu.memory_space<vmem>> -> memref<1x128xi32, #tpu.memory_space<vmem>>
    %dma_start3A_38 = tpu.memref_squeeze %dma_start3A_37 : memref<1x128xi32, #tpu.memory_space<vmem>> -> memref<128xi32, #tpu.memory_space<vmem>>
    %dma_start3A_39 = arith.constant 0 : i32
    %dma_start3A_40 = arith.constant 0 : i32
    %dma_start3A_41 = tpu.memref_slice %arg2[%dma_start3A_39, %dma_start3A_40] : memref<1024x64xf32, #tpu.memory_space<hbm>> -> memref<1024x64xf32, #tpu.memory_space<hbm>>
    tpu.enqueue_indirect_dma source(%dma_start3A_41 : memref<1024x64xf32, #tpu.memory_space<hbm>>) target(%dma_start3A_35 : memref<128x64xf32, #tpu.memory_space<vmem>>) offsets(%dma_start3A_38 : memref<128xi32, #tpu.memory_space<vmem>>) semaphore(%arg7 : memref<!tpu.dma_semaphore, #tpu.memory_space<semaphore_mem>>)
    %dma_start3A_42 = arith.constant 4 : i32
    %dma_start3A_43 = arith.constant 512 : i32
    %dma_start3A_44 = arith.constant 0 : i32
    %dma_start3A_45 = tpu.memref_slice %arg6[%dma_start3A_43, %dma_start3A_44] : memref<1152x64xf32, #tpu.memory_space<vmem>> -> memref<128x64xf32, #tpu.memory_space<vmem>>
    %dma_start3A_46 = arith.constant 0 : i32
    %dma_start3A_47 = tpu.memref_slice %arg5[%dma_start3A_42, %dma_start3A_46] : memref<9x128xi32, #tpu.memory_space<vmem>> -> memref<1x128xi32, #tpu.memory_space<vmem>>
    %dma_start3A_48 = tpu.memref_squeeze %dma_start3A_47 : memref<1x128xi32, #tpu.memory_space<vmem>> -> memref<128xi32, #tpu.memory_space<vmem>>
    %dma_start3A_49 = arith.constant 0 : i32
    %dma_start3A_50 = arith.constant 0 : i32
    %dma_start3A_51 = tpu.memref_slice %arg2[%dma_start3A_49, %dma_start3A_50] : memref<1024x64xf32, #tpu.memory_space<hbm>> -> memref<1024x64xf32, #tpu.memory_space<hbm>>
    tpu.enqueue_indirect_dma source(%dma_start3A_51 : memref<1024x64xf32, #tpu.memory_space<hbm>>) target(%dma_start3A_45 : memref<128x64xf32, #tpu.memory_space<vmem>>) offsets(%dma_start3A_48 : memref<128xi32, #tpu.memory_space<vmem>>) semaphore(%arg7 : memref<!tpu.dma_semaphore, #tpu.memory_space<semaphore_mem>>)
    %dma_start3A_52 = arith.constant 5 : i32
    %dma_start3A_53 = arith.constant 640 : i32
    %dma_start3A_54 = arith.constant 0 : i32
    %dma_start3A_55 = tpu.memref_slice %arg6[%dma_start3A_53, %dma_start3A_54] : memref<1152x64xf32, #tpu.memory_space<vmem>> -> memref<128x64xf32, #tpu.memory_space<vmem>>
    %dma_start3A_56 = arith.constant 0 : i32
    %dma_start3A_57 = tpu.memref_slice %arg5[%dma_start3A_52, %dma_start3A_56] : memref<9x128xi32, #tpu.memory_space<vmem>> -> memref<1x128xi32, #tpu.memory_space<vmem>>
    %dma_start3A_58 = tpu.memref_squeeze %dma_start3A_57 : memref<1x128xi32, #tpu.memory_space<vmem>> -> memref<128xi32, #tpu.memory_space<vmem>>
    %dma_start3A_59 = arith.constant 0 : i32
    %dma_start3A_60 = arith.constant 0 : i32
    %dma_start3A_61 = tpu.memref_slice %arg2[%dma_start3A_59, %dma_start3A_60] : memref<1024x64xf32, #tpu.memory_space<hbm>> -> memref<1024x64xf32, #tpu.memory_space<hbm>>
    tpu.enqueue_indirect_dma source(%dma_start3A_61 : memref<1024x64xf32, #tpu.memory_space<hbm>>) target(%dma_start3A_55 : memref<128x64xf32, #tpu.memory_space<vmem>>) offsets(%dma_start3A_58 : memref<128xi32, #tpu.memory_space<vmem>>) semaphore(%arg7 : memref<!tpu.dma_semaphore, #tpu.memory_space<semaphore_mem>>)
    %dma_start3A_62 = arith.constant 6 : i32
    %dma_start3A_63 = arith.constant 768 : i32
    %dma_start3A_64 = arith.constant 0 : i32
    %dma_start3A_65 = tpu.memref_slice %arg6[%dma_start3A_63, %dma_start3A_64] : memref<1152x64xf32, #tpu.memory_space<vmem>> -> memref<128x64xf32, #tpu.memory_space<vmem>>
    %dma_start3A_66 = arith.constant 0 : i32
    %dma_start3A_67 = tpu.memref_slice %arg5[%dma_start3A_62, %dma_start3A_66] : memref<9x128xi32, #tpu.memory_space<vmem>> -> memref<1x128xi32, #tpu.memory_space<vmem>>
    %dma_start3A_68 = tpu.memref_squeeze %dma_start3A_67 : memref<1x128xi32, #tpu.memory_space<vmem>> -> memref<128xi32, #tpu.memory_space<vmem>>
    %dma_start3A_69 = arith.constant 0 : i32
    %dma_start3A_70 = arith.constant 0 : i32
    %dma_start3A_71 = tpu.memref_slice %arg2[%dma_start3A_69, %dma_start3A_70] : memref<1024x64xf32, #tpu.memory_space<hbm>> -> memref<1024x64xf32, #tpu.memory_space<hbm>>
    tpu.enqueue_indirect_dma source(%dma_start3A_71 : memref<1024x64xf32, #tpu.memory_space<hbm>>) target(%dma_start3A_65 : memref<128x64xf32, #tpu.memory_space<vmem>>) offsets(%dma_start3A_68 : memref<128xi32, #tpu.memory_space<vmem>>) semaphore(%arg7 : memref<!tpu.dma_semaphore, #tpu.memory_space<semaphore_mem>>)
    %dma_start3A_72 = arith.constant 7 : i32
    %dma_start3A_73 = arith.constant 896 : i32
    %dma_start3A_74 = arith.constant 0 : i32
    %dma_start3A_75 = tpu.memref_slice %arg6[%dma_start3A_73, %dma_start3A_74] : memref<1152x64xf32, #tpu.memory_space<vmem>> -> memref<128x64xf32, #tpu.memory_space<vmem>>
    %dma_start3A_76 = arith.constant 0 : i32
    %dma_start3A_77 = tpu.memref_slice %arg5[%dma_start3A_72, %dma_start3A_76] : memref<9x128xi32, #tpu.memory_space<vmem>> -> memref<1x128xi32, #tpu.memory_space<vmem>>
    %dma_start3A_78 = tpu.memref_squeeze %dma_start3A_77 : memref<1x128xi32, #tpu.memory_space<vmem>> -> memref<128xi32, #tpu.memory_space<vmem>>
    %dma_start3A_79 = arith.constant 0 : i32
    %dma_start3A_80 = arith.constant 0 : i32
    %dma_start3A_81 = tpu.memref_slice %arg2[%dma_start3A_79, %dma_start3A_80] : memref<1024x64xf32, #tpu.memory_space<hbm>> -> memref<1024x64xf32, #tpu.memory_space<hbm>>
    tpu.enqueue_indirect_dma source(%dma_start3A_81 : memref<1024x64xf32, #tpu.memory_space<hbm>>) target(%dma_start3A_75 : memref<128x64xf32, #tpu.memory_space<vmem>>) offsets(%dma_start3A_78 : memref<128xi32, #tpu.memory_space<vmem>>) semaphore(%arg7 : memref<!tpu.dma_semaphore, #tpu.memory_space<semaphore_mem>>)
    %dma_start3A_82 = arith.constant 8 : i32
    %dma_start3A_83 = arith.constant 1024 : i32
    %dma_start3A_84 = arith.constant 0 : i32
    %dma_start3A_85 = tpu.memref_slice %arg6[%dma_start3A_83, %dma_start3A_84] : memref<1152x64xf32, #tpu.memory_space<vmem>> -> memref<128x64xf32, #tpu.memory_space<vmem>>
    %dma_start3A_86 = arith.constant 0 : i32
    %dma_start3A_87 = tpu.memref_slice %arg5[%dma_start3A_82, %dma_start3A_86] : memref<9x128xi32, #tpu.memory_space<vmem>> -> memref<1x128xi32, #tpu.memory_space<vmem>>
    %dma_start3A_88 = tpu.memref_squeeze %dma_start3A_87 : memref<1x128xi32, #tpu.memory_space<vmem>> -> memref<128xi32, #tpu.memory_space<vmem>>
    %dma_start3A_89 = arith.constant 0 : i32
    %dma_start3A_90 = arith.constant 0 : i32
    %dma_start3A_91 = tpu.memref_slice %arg2[%dma_start3A_89, %dma_start3A_90] : memref<1024x64xf32, #tpu.memory_space<hbm>> -> memref<1024x64xf32, #tpu.memory_space<hbm>>
    tpu.enqueue_indirect_dma source(%dma_start3A_91 : memref<1024x64xf32, #tpu.memory_space<hbm>>) target(%dma_start3A_85 : memref<128x64xf32, #tpu.memory_space<vmem>>) offsets(%dma_start3A_88 : memref<128xi32, #tpu.memory_space<vmem>>) semaphore(%arg7 : memref<!tpu.dma_semaphore, #tpu.memory_space<semaphore_mem>>)
    %dma_wait3A = arith.constant 0 : i32
    %dma_wait3A_92 = arith.constant 0 : i32
    %dma_wait3A_93 = arith.constant 0 : i32
    %dma_wait3A_94 = tpu.memref_slice %arg6[%dma_wait3A_92, %dma_wait3A_93] : memref<1152x64xf32, #tpu.memory_space<vmem>> -> memref<128x64xf32, #tpu.memory_space<vmem>>
    %dma_wait3A_95 = arith.constant 0 : i32
    %dma_wait3A_96 = tpu.memref_slice %arg5[%dma_wait3A, %dma_wait3A_95] : memref<9x128xi32, #tpu.memory_space<vmem>> -> memref<1x128xi32, #tpu.memory_space<vmem>>
    %dma_wait3A_97 = tpu.memref_squeeze %dma_wait3A_96 : memref<1x128xi32, #tpu.memory_space<vmem>> -> memref<128xi32, #tpu.memory_space<vmem>>
    %dma_wait3A_98 = arith.constant 0 : i32
    %dma_wait3A_99 = arith.constant 0 : i32
    %dma_wait3A_100 = tpu.memref_slice %arg2[%dma_wait3A_98, %dma_wait3A_99] : memref<1024x64xf32, #tpu.memory_space<hbm>> -> memref<1024x64xf32, #tpu.memory_space<hbm>>
    tpu.wait_indirect_dma semaphore(%arg7 : memref<!tpu.dma_semaphore, #tpu.memory_space<semaphore_mem>>) src(%dma_wait3A_100 : memref<1024x64xf32, #tpu.memory_space<hbm>>) dst(%dma_wait3A_94 : memref<128x64xf32, #tpu.memory_space<vmem>>)
    %dma_wait3A_101 = arith.constant 1 : i32
    %dma_wait3A_102 = arith.constant 128 : i32
    %dma_wait3A_103 = arith.constant 0 : i32
    %dma_wait3A_104 = tpu.memref_slice %arg6[%dma_wait3A_102, %dma_wait3A_103] : memref<1152x64xf32, #tpu.memory_space<vmem>> -> memref<128x64xf32, #tpu.memory_space<vmem>>
    %dma_wait3A_105 = arith.constant 0 : i32
    %dma_wait3A_106 = tpu.memref_slice %arg5[%dma_wait3A_101, %dma_wait3A_105] : memref<9x128xi32, #tpu.memory_space<vmem>> -> memref<1x128xi32, #tpu.memory_space<vmem>>
    %dma_wait3A_107 = tpu.memref_squeeze %dma_wait3A_106 : memref<1x128xi32, #tpu.memory_space<vmem>> -> memref<128xi32, #tpu.memory_space<vmem>>
    %dma_wait3A_108 = arith.constant 0 : i32
    %dma_wait3A_109 = arith.constant 0 : i32
    %dma_wait3A_110 = tpu.memref_slice %arg2[%dma_wait3A_108, %dma_wait3A_109] : memref<1024x64xf32, #tpu.memory_space<hbm>> -> memref<1024x64xf32, #tpu.memory_space<hbm>>
    tpu.wait_indirect_dma semaphore(%arg7 : memref<!tpu.dma_semaphore, #tpu.memory_space<semaphore_mem>>) src(%dma_wait3A_110 : memref<1024x64xf32, #tpu.memory_space<hbm>>) dst(%dma_wait3A_104 : memref<128x64xf32, #tpu.memory_space<vmem>>)
    %dma_wait3A_111 = arith.constant 2 : i32
    %dma_wait3A_112 = arith.constant 256 : i32
    %dma_wait3A_113 = arith.constant 0 : i32
    %dma_wait3A_114 = tpu.memref_slice %arg6[%dma_wait3A_112, %dma_wait3A_113] : memref<1152x64xf32, #tpu.memory_space<vmem>> -> memref<128x64xf32, #tpu.memory_space<vmem>>
    %dma_wait3A_115 = arith.constant 0 : i32
    %dma_wait3A_116 = tpu.memref_slice %arg5[%dma_wait3A_111, %dma_wait3A_115] : memref<9x128xi32, #tpu.memory_space<vmem>> -> memref<1x128xi32, #tpu.memory_space<vmem>>
    %dma_wait3A_117 = tpu.memref_squeeze %dma_wait3A_116 : memref<1x128xi32, #tpu.memory_space<vmem>> -> memref<128xi32, #tpu.memory_space<vmem>>
    %dma_wait3A_118 = arith.constant 0 : i32
    %dma_wait3A_119 = arith.constant 0 : i32
    %dma_wait3A_120 = tpu.memref_slice %arg2[%dma_wait3A_118, %dma_wait3A_119] : memref<1024x64xf32, #tpu.memory_space<hbm>> -> memref<1024x64xf32, #tpu.memory_space<hbm>>
    tpu.wait_indirect_dma semaphore(%arg7 : memref<!tpu.dma_semaphore, #tpu.memory_space<semaphore_mem>>) src(%dma_wait3A_120 : memref<1024x64xf32, #tpu.memory_space<hbm>>) dst(%dma_wait3A_114 : memref<128x64xf32, #tpu.memory_space<vmem>>)
    %dma_wait3A_121 = arith.constant 3 : i32
    %dma_wait3A_122 = arith.constant 384 : i32
    %dma_wait3A_123 = arith.constant 0 : i32
    %dma_wait3A_124 = tpu.memref_slice %arg6[%dma_wait3A_122, %dma_wait3A_123] : memref<1152x64xf32, #tpu.memory_space<vmem>> -> memref<128x64xf32, #tpu.memory_space<vmem>>
    %dma_wait3A_125 = arith.constant 0 : i32
    %dma_wait3A_126 = tpu.memref_slice %arg5[%dma_wait3A_121, %dma_wait3A_125] : memref<9x128xi32, #tpu.memory_space<vmem>> -> memref<1x128xi32, #tpu.memory_space<vmem>>
    %dma_wait3A_127 = tpu.memref_squeeze %dma_wait3A_126 : memref<1x128xi32, #tpu.memory_space<vmem>> -> memref<128xi32, #tpu.memory_space<vmem>>
    %dma_wait3A_128 = arith.constant 0 : i32
    %dma_wait3A_129 = arith.constant 0 : i32
    %dma_wait3A_130 = tpu.memref_slice %arg2[%dma_wait3A_128, %dma_wait3A_129] : memref<1024x64xf32, #tpu.memory_space<hbm>> -> memref<1024x64xf32, #tpu.memory_space<hbm>>
    tpu.wait_indirect_dma semaphore(%arg7 : memref<!tpu.dma_semaphore, #tpu.memory_space<semaphore_mem>>) src(%dma_wait3A_130 : memref<1024x64xf32, #tpu.memory_space<hbm>>) dst(%dma_wait3A_124 : memref<128x64xf32, #tpu.memory_space<vmem>>)
    %dma_wait3A_131 = arith.constant 4 : i32
    %dma_wait3A_132 = arith.constant 512 : i32
    %dma_wait3A_133 = arith.constant 0 : i32
    %dma_wait3A_134 = tpu.memref_slice %arg6[%dma_wait3A_132, %dma_wait3A_133] : memref<1152x64xf32, #tpu.memory_space<vmem>> -> memref<128x64xf32, #tpu.memory_space<vmem>>
    %dma_wait3A_135 = arith.constant 0 : i32
    %dma_wait3A_136 = tpu.memref_slice %arg5[%dma_wait3A_131, %dma_wait3A_135] : memref<9x128xi32, #tpu.memory_space<vmem>> -> memref<1x128xi32, #tpu.memory_space<vmem>>
    %dma_wait3A_137 = tpu.memref_squeeze %dma_wait3A_136 : memref<1x128xi32, #tpu.memory_space<vmem>> -> memref<128xi32, #tpu.memory_space<vmem>>
    %dma_wait3A_138 = arith.constant 0 : i32
    %dma_wait3A_139 = arith.constant 0 : i32
    %dma_wait3A_140 = tpu.memref_slice %arg2[%dma_wait3A_138, %dma_wait3A_139] : memref<1024x64xf32, #tpu.memory_space<hbm>> -> memref<1024x64xf32, #tpu.memory_space<hbm>>
    tpu.wait_indirect_dma semaphore(%arg7 : memref<!tpu.dma_semaphore, #tpu.memory_space<semaphore_mem>>) src(%dma_wait3A_140 : memref<1024x64xf32, #tpu.memory_space<hbm>>) dst(%dma_wait3A_134 : memref<128x64xf32, #tpu.memory_space<vmem>>)
    %dma_wait3A_141 = arith.constant 5 : i32
    %dma_wait3A_142 = arith.constant 640 : i32
    %dma_wait3A_143 = arith.constant 0 : i32
    %dma_wait3A_144 = tpu.memref_slice %arg6[%dma_wait3A_142, %dma_wait3A_143] : memref<1152x64xf32, #tpu.memory_space<vmem>> -> memref<128x64xf32, #tpu.memory_space<vmem>>
    %dma_wait3A_145 = arith.constant 0 : i32
    %dma_wait3A_146 = tpu.memref_slice %arg5[%dma_wait3A_141, %dma_wait3A_145] : memref<9x128xi32, #tpu.memory_space<vmem>> -> memref<1x128xi32, #tpu.memory_space<vmem>>
    %dma_wait3A_147 = tpu.memref_squeeze %dma_wait3A_146 : memref<1x128xi32, #tpu.memory_space<vmem>> -> memref<128xi32, #tpu.memory_space<vmem>>
    %dma_wait3A_148 = arith.constant 0 : i32
    %dma_wait3A_149 = arith.constant 0 : i32
    %dma_wait3A_150 = tpu.memref_slice %arg2[%dma_wait3A_148, %dma_wait3A_149] : memref<1024x64xf32, #tpu.memory_space<hbm>> -> memref<1024x64xf32, #tpu.memory_space<hbm>>
    tpu.wait_indirect_dma semaphore(%arg7 : memref<!tpu.dma_semaphore, #tpu.memory_space<semaphore_mem>>) src(%dma_wait3A_150 : memref<1024x64xf32, #tpu.memory_space<hbm>>) dst(%dma_wait3A_144 : memref<128x64xf32, #tpu.memory_space<vmem>>)
    %dma_wait3A_151 = arith.constant 6 : i32
    %dma_wait3A_152 = arith.constant 768 : i32
    %dma_wait3A_153 = arith.constant 0 : i32
    %dma_wait3A_154 = tpu.memref_slice %arg6[%dma_wait3A_152, %dma_wait3A_153] : memref<1152x64xf32, #tpu.memory_space<vmem>> -> memref<128x64xf32, #tpu.memory_space<vmem>>
    %dma_wait3A_155 = arith.constant 0 : i32
    %dma_wait3A_156 = tpu.memref_slice %arg5[%dma_wait3A_151, %dma_wait3A_155] : memref<9x128xi32, #tpu.memory_space<vmem>> -> memref<1x128xi32, #tpu.memory_space<vmem>>
    %dma_wait3A_157 = tpu.memref_squeeze %dma_wait3A_156 : memref<1x128xi32, #tpu.memory_space<vmem>> -> memref<128xi32, #tpu.memory_space<vmem>>
    %dma_wait3A_158 = arith.constant 0 : i32
    %dma_wait3A_159 = arith.constant 0 : i32
    %dma_wait3A_160 = tpu.memref_slice %arg2[%dma_wait3A_158, %dma_wait3A_159] : memref<1024x64xf32, #tpu.memory_space<hbm>> -> memref<1024x64xf32, #tpu.memory_space<hbm>>
    tpu.wait_indirect_dma semaphore(%arg7 : memref<!tpu.dma_semaphore, #tpu.memory_space<semaphore_mem>>) src(%dma_wait3A_160 : memref<1024x64xf32, #tpu.memory_space<hbm>>) dst(%dma_wait3A_154 : memref<128x64xf32, #tpu.memory_space<vmem>>)
    %dma_wait3A_161 = arith.constant 7 : i32
    %dma_wait3A_162 = arith.constant 896 : i32
    %dma_wait3A_163 = arith.constant 0 : i32
    %dma_wait3A_164 = tpu.memref_slice %arg6[%dma_wait3A_162, %dma_wait3A_163] : memref<1152x64xf32, #tpu.memory_space<vmem>> -> memref<128x64xf32, #tpu.memory_space<vmem>>
    %dma_wait3A_165 = arith.constant 0 : i32
    %dma_wait3A_166 = tpu.memref_slice %arg5[%dma_wait3A_161, %dma_wait3A_165] : memref<9x128xi32, #tpu.memory_space<vmem>> -> memref<1x128xi32, #tpu.memory_space<vmem>>
    %dma_wait3A_167 = tpu.memref_squeeze %dma_wait3A_166 : memref<1x128xi32, #tpu.memory_space<vmem>> -> memref<128xi32, #tpu.memory_space<vmem>>
    %dma_wait3A_168 = arith.constant 0 : i32
    %dma_wait3A_169 = arith.constant 0 : i32
    %dma_wait3A_170 = tpu.memref_slice %arg2[%dma_wait3A_168, %dma_wait3A_169] : memref<1024x64xf32, #tpu.memory_space<hbm>> -> memref<1024x64xf32, #tpu.memory_space<hbm>>
    tpu.wait_indirect_dma semaphore(%arg7 : memref<!tpu.dma_semaphore, #tpu.memory_space<semaphore_mem>>) src(%dma_wait3A_170 : memref<1024x64xf32, #tpu.memory_space<hbm>>) dst(%dma_wait3A_164 : memref<128x64xf32, #tpu.memory_space<vmem>>)
    %dma_wait3A_171 = arith.constant 8 : i32
    %dma_wait3A_172 = arith.constant 1024 : i32
    %dma_wait3A_173 = arith.constant 0 : i32
    %dma_wait3A_174 = tpu.memref_slice %arg6[%dma_wait3A_172, %dma_wait3A_173] : memref<1152x64xf32, #tpu.memory_space<vmem>> -> memref<128x64xf32, #tpu.memory_space<vmem>>
    %dma_wait3A_175 = arith.constant 0 : i32
    %dma_wait3A_176 = tpu.memref_slice %arg5[%dma_wait3A_171, %dma_wait3A_175] : memref<9x128xi32, #tpu.memory_space<vmem>> -> memref<1x128xi32, #tpu.memory_space<vmem>>
    %dma_wait3A_177 = tpu.memref_squeeze %dma_wait3A_176 : memref<1x128xi32, #tpu.memory_space<vmem>> -> memref<128xi32, #tpu.memory_space<vmem>>
    %dma_wait3A_178 = arith.constant 0 : i32
    %dma_wait3A_179 = arith.constant 0 : i32
    %dma_wait3A_180 = tpu.memref_slice %arg2[%dma_wait3A_178, %dma_wait3A_179] : memref<1024x64xf32, #tpu.memory_space<hbm>> -> memref<1024x64xf32, #tpu.memory_space<hbm>>
    tpu.wait_indirect_dma semaphore(%arg7 : memref<!tpu.dma_semaphore, #tpu.memory_space<semaphore_mem>>) src(%dma_wait3A_180 : memref<1024x64xf32, #tpu.memory_space<hbm>>) dst(%dma_wait3A_174 : memref<128x64xf32, #tpu.memory_space<vmem>>)
    %mul3A_181 = arith.constant 1152 : i32
    %mul3A_182 = arith.muli %add3A, %mul3A_181 : i32
    "tpu.region"() ({
      %run_scoped3A = tpu.sem_alloc : memref<!tpu.dma_semaphore, #tpu.memory_space<semaphore_mem>>
      %dma_start3A_183 = arith.constant 0 : i32
      %dma_start3A_184 = tpu.memref_slice %arg4[%mul3A_182, %dma_start3A_183] : memref<36864x64xf32, #tpu.memory_space<hbm>> -> memref<1152x64xf32, #tpu.memory_space<hbm>>
      %dma_start3A_185 = arith.constant 0 : i32
      %dma_start3A_186 = tpu.memref_slice %arg4[%mul3A_182, %dma_start3A_185] : memref<36864x64xf32, #tpu.memory_space<hbm>> -> memref<1152x64xf32, #tpu.memory_space<hbm>>
      tpu.enqueue_dma source(%arg6 : memref<1152x64xf32, #tpu.memory_space<vmem>>) target(%dma_start3A_186 : memref<1152x64xf32, #tpu.memory_space<hbm>>) target_semaphore(%run_scoped3A : memref<!tpu.dma_semaphore, #tpu.memory_space<semaphore_mem>>)
      %dma_wait3A_187 = arith.constant 0 : i32
      %dma_wait3A_188 = tpu.memref_slice %arg4[%mul3A_182, %dma_wait3A_187] : memref<36864x64xf32, #tpu.memory_space<hbm>> -> memref<1152x64xf32, #tpu.memory_space<hbm>>
      %dma_wait3A_189 = arith.constant 0 : i32
      %dma_wait3A_190 = tpu.memref_slice %arg4[%mul3A_182, %dma_wait3A_189] : memref<36864x64xf32, #tpu.memory_space<hbm>> -> memref<1152x64xf32, #tpu.memory_space<hbm>>
      tpu.wait_dma2 semaphore(%run_scoped3A : memref<!tpu.dma_semaphore, #tpu.memory_space<semaphore_mem>>) src(%arg6 : memref<1152x64xf32, #tpu.memory_space<vmem>>) dst(%dma_wait3A_190 : memref<1152x64xf32, #tpu.memory_space<hbm>>)
      tpu.yield
    }) : () -> ()
    return
  }
}

module attributes {stable_mosaic.version = 14 : i64} {
  func.func @_argmin_block(%arg0: i32, %arg1: memref<1024x64xf32, #tpu.memory_space<vmem>>, %arg2: memref<64x1024xf32, #tpu.memory_space<vmem>>, %arg3: memref<8x128xi32, #tpu.memory_space<vmem>>) attributes {dimension_semantics = [#tpu.dimension_semantics<arbitrary>], iteration_bounds = array<i64: 36>, scalar_prefetch = 0 : i64, scratch_operands = 0 : i64, tpu.core_type = #tpu.core_type<tc>, window_params = [{transform_indices = @transform_0, window_bounds = array<i64: 1024, 64>}, {pipeline_mode = #tpu.pipeline_mode<synchronous>, transform_indices = @transform_1, window_bounds = array<i64: 64, 1024>}, {transform_indices = @transform_2, window_bounds = array<i64: 8, 128>}]} {
    %get3A = arith.constant 0 : index
    %get3A_0 = arith.constant 0 : index
    %get3A_1 = vector.load %arg1[%get3A, %get3A_0] : memref<1024x64xf32, #tpu.memory_space<vmem>>, vector<1024x64xf32>
    %get3A_2 = arith.constant 0 : index
    %get3A_3 = arith.constant 0 : index
    %get3A_4 = vector.load %arg2[%get3A_2, %get3A_3] : memref<64x1024xf32, #tpu.memory_space<vmem>>, vector<64x1024xf32>
    %add3A = arith.addf %get3A_4, %get3A_4 : vector<64x1024xf32>
    %dot_general3A = arith.constant dense<0.000000e+00> : vector<1024x1024xf32>
    %dot_general3A_5 = tpu.matmul %get3A_1, %add3A, %dot_general3A {dimension_numbers = #tpu.dot_dimension_numbers<[1], [0], [0], [1], [0, 0, 1, 1], [], []>, transpose_lhs_hint = false} : vector<1024x64xf32>, vector<64x1024xf32>, vector<1024x1024xf32> -> vector<1024x1024xf32>
    %mul3A = arith.mulf %get3A_1, %get3A_1 : vector<1024x64xf32>
    %reduce_sum3A = arith.constant dense<0.000000e+00> : vector<1024xf32>
    %reduce_sum3A_6 = vector.multi_reduction <add>, %mul3A, %reduce_sum3A [1] : vector<1024x64xf32> to vector<1024xf32>
    %broadcast_in_dim3A = vector.shape_cast %reduce_sum3A_6 : vector<1024xf32> to vector<1024x1xf32>
    %mul3A_7 = arith.mulf %get3A_4, %get3A_4 : vector<64x1024xf32>
    %reduce_sum3A_8 = arith.constant dense<0.000000e+00> : vector<1024xf32>
    %reduce_sum3A_9 = vector.multi_reduction <add>, %mul3A_7, %reduce_sum3A_8 [0] : vector<64x1024xf32> to vector<1024xf32>
    %broadcast_in_dim3A_10 = vector.shape_cast %reduce_sum3A_9 : vector<1024xf32> to vector<1x1024xf32>
    %iota3A = tpu.iota {dimensions = array<i32: 1>} : vector<128x128xi32>
    %convert_element_type3A = arith.sitofp %iota3A : vector<128x128xi32> to vector<128x128xf32>
    %slice3A = vector.extract_strided_slice %broadcast_in_dim3A {offsets = [0, 0], sizes = [128, 1], strides = [1, 1]} : vector<1024x1xf32> to vector<128x1xf32>
    %slice3A_11 = vector.extract_strided_slice %broadcast_in_dim3A_10 {offsets = [0, 0], sizes = [1, 128], strides = [1, 1]} : vector<1x1024xf32> to vector<1x128xf32>
    %add3A_12 = vector.broadcast %slice3A : vector<128x1xf32> to vector<128x128xf32>
    %add3A_13 = vector.broadcast %slice3A_11 : vector<1x128xf32> to vector<128x128xf32>
    %add3A_14 = arith.addf %add3A_12, %add3A_13 : vector<128x128xf32>
    %slice3A_15 = vector.extract_strided_slice %dot_general3A_5 {offsets = [0, 0], sizes = [128, 128], strides = [1, 1]} : vector<1024x1024xf32> to vector<128x128xf32>
    %sub3A = arith.subf %add3A_14, %slice3A_15 : vector<128x128xf32>
    %broadcast_in_dim3A_16 = arith.constant 0.000000e+00 : f32
    %broadcast_in_dim3A_17 = vector.broadcast %broadcast_in_dim3A_16 : f32 to vector<128x128xf32>
    %slice3A_18 = vector.extract_strided_slice %broadcast_in_dim3A_10 {offsets = [0, 128], sizes = [1, 128], strides = [1, 1]} : vector<1x1024xf32> to vector<1x128xf32>
    %add3A_19 = vector.broadcast %slice3A : vector<128x1xf32> to vector<128x128xf32>
    %add3A_20 = vector.broadcast %slice3A_18 : vector<1x128xf32> to vector<128x128xf32>
    %add3A_21 = arith.addf %add3A_19, %add3A_20 : vector<128x128xf32>
    %slice3A_22 = vector.extract_strided_slice %dot_general3A_5 {offsets = [0, 128], sizes = [128, 128], strides = [1, 1]} : vector<1024x1024xf32> to vector<128x128xf32>
    %sub3A_23 = arith.subf %add3A_21, %slice3A_22 : vector<128x128xf32>
    %lt3A = arith.cmpf olt, %sub3A_23, %sub3A : vector<128x128xf32>
    %select_n3A = arith.select %lt3A, %sub3A_23, %sub3A : vector<128x128xi1>, vector<128x128xf32>
    %jit3A = arith.constant 1.000000e+00 : f32
    %broadcast_in_dim3A_24 = vector.broadcast %jit3A : f32 to vector<128x128xf32>
    %select_n3A_25 = arith.select %lt3A, %broadcast_in_dim3A_24, %broadcast_in_dim3A_17 : vector<128x128xi1>, vector<128x128xf32>
    %slice3A_26 = vector.extract_strided_slice %broadcast_in_dim3A_10 {offsets = [0, 256], sizes = [1, 128], strides = [1, 1]} : vector<1x1024xf32> to vector<1x128xf32>
    %add3A_27 = vector.broadcast %slice3A : vector<128x1xf32> to vector<128x128xf32>
    %add3A_28 = vector.broadcast %slice3A_26 : vector<1x128xf32> to vector<128x128xf32>
    %add3A_29 = arith.addf %add3A_27, %add3A_28 : vector<128x128xf32>
    %slice3A_30 = vector.extract_strided_slice %dot_general3A_5 {offsets = [0, 256], sizes = [128, 128], strides = [1, 1]} : vector<1024x1024xf32> to vector<128x128xf32>
    %sub3A_31 = arith.subf %add3A_29, %slice3A_30 : vector<128x128xf32>
    %lt3A_32 = arith.cmpf olt, %sub3A_31, %select_n3A : vector<128x128xf32>
    %select_n3A_33 = arith.select %lt3A_32, %sub3A_31, %select_n3A : vector<128x128xi1>, vector<128x128xf32>
    %jit3A_34 = arith.constant 2.000000e+00 : f32
    %broadcast_in_dim3A_35 = vector.broadcast %jit3A_34 : f32 to vector<128x128xf32>
    %select_n3A_36 = arith.select %lt3A_32, %broadcast_in_dim3A_35, %select_n3A_25 : vector<128x128xi1>, vector<128x128xf32>
    %slice3A_37 = vector.extract_strided_slice %broadcast_in_dim3A_10 {offsets = [0, 384], sizes = [1, 128], strides = [1, 1]} : vector<1x1024xf32> to vector<1x128xf32>
    %add3A_38 = vector.broadcast %slice3A : vector<128x1xf32> to vector<128x128xf32>
    %add3A_39 = vector.broadcast %slice3A_37 : vector<1x128xf32> to vector<128x128xf32>
    %add3A_40 = arith.addf %add3A_38, %add3A_39 : vector<128x128xf32>
    %slice3A_41 = vector.extract_strided_slice %dot_general3A_5 {offsets = [0, 384], sizes = [128, 128], strides = [1, 1]} : vector<1024x1024xf32> to vector<128x128xf32>
    %sub3A_42 = arith.subf %add3A_40, %slice3A_41 : vector<128x128xf32>
    %lt3A_43 = arith.cmpf olt, %sub3A_42, %select_n3A_33 : vector<128x128xf32>
    %select_n3A_44 = arith.select %lt3A_43, %sub3A_42, %select_n3A_33 : vector<128x128xi1>, vector<128x128xf32>
    %jit3A_45 = arith.constant 3.000000e+00 : f32
    %broadcast_in_dim3A_46 = vector.broadcast %jit3A_45 : f32 to vector<128x128xf32>
    %select_n3A_47 = arith.select %lt3A_43, %broadcast_in_dim3A_46, %select_n3A_36 : vector<128x128xi1>, vector<128x128xf32>
    %slice3A_48 = vector.extract_strided_slice %broadcast_in_dim3A_10 {offsets = [0, 512], sizes = [1, 128], strides = [1, 1]} : vector<1x1024xf32> to vector<1x128xf32>
    %add3A_49 = vector.broadcast %slice3A : vector<128x1xf32> to vector<128x128xf32>
    %add3A_50 = vector.broadcast %slice3A_48 : vector<1x128xf32> to vector<128x128xf32>
    %add3A_51 = arith.addf %add3A_49, %add3A_50 : vector<128x128xf32>
    %slice3A_52 = vector.extract_strided_slice %dot_general3A_5 {offsets = [0, 512], sizes = [128, 128], strides = [1, 1]} : vector<1024x1024xf32> to vector<128x128xf32>
    %sub3A_53 = arith.subf %add3A_51, %slice3A_52 : vector<128x128xf32>
    %lt3A_54 = arith.cmpf olt, %sub3A_53, %select_n3A_44 : vector<128x128xf32>
    %select_n3A_55 = arith.select %lt3A_54, %sub3A_53, %select_n3A_44 : vector<128x128xi1>, vector<128x128xf32>
    %jit3A_56 = arith.constant 4.000000e+00 : f32
    %broadcast_in_dim3A_57 = vector.broadcast %jit3A_56 : f32 to vector<128x128xf32>
    %select_n3A_58 = arith.select %lt3A_54, %broadcast_in_dim3A_57, %select_n3A_47 : vector<128x128xi1>, vector<128x128xf32>
    %slice3A_59 = vector.extract_strided_slice %broadcast_in_dim3A_10 {offsets = [0, 640], sizes = [1, 128], strides = [1, 1]} : vector<1x1024xf32> to vector<1x128xf32>
    %add3A_60 = vector.broadcast %slice3A : vector<128x1xf32> to vector<128x128xf32>
    %add3A_61 = vector.broadcast %slice3A_59 : vector<1x128xf32> to vector<128x128xf32>
    %add3A_62 = arith.addf %add3A_60, %add3A_61 : vector<128x128xf32>
    %slice3A_63 = vector.extract_strided_slice %dot_general3A_5 {offsets = [0, 640], sizes = [128, 128], strides = [1, 1]} : vector<1024x1024xf32> to vector<128x128xf32>
    %sub3A_64 = arith.subf %add3A_62, %slice3A_63 : vector<128x128xf32>
    %lt3A_65 = arith.cmpf olt, %sub3A_64, %select_n3A_55 : vector<128x128xf32>
    %select_n3A_66 = arith.select %lt3A_65, %sub3A_64, %select_n3A_55 : vector<128x128xi1>, vector<128x128xf32>
    %jit3A_67 = arith.constant 5.000000e+00 : f32
    %broadcast_in_dim3A_68 = vector.broadcast %jit3A_67 : f32 to vector<128x128xf32>
    %select_n3A_69 = arith.select %lt3A_65, %broadcast_in_dim3A_68, %select_n3A_58 : vector<128x128xi1>, vector<128x128xf32>
    %slice3A_70 = vector.extract_strided_slice %broadcast_in_dim3A_10 {offsets = [0, 768], sizes = [1, 128], strides = [1, 1]} : vector<1x1024xf32> to vector<1x128xf32>
    %add3A_71 = vector.broadcast %slice3A : vector<128x1xf32> to vector<128x128xf32>
    %add3A_72 = vector.broadcast %slice3A_70 : vector<1x128xf32> to vector<128x128xf32>
    %add3A_73 = arith.addf %add3A_71, %add3A_72 : vector<128x128xf32>
    %slice3A_74 = vector.extract_strided_slice %dot_general3A_5 {offsets = [0, 768], sizes = [128, 128], strides = [1, 1]} : vector<1024x1024xf32> to vector<128x128xf32>
    %sub3A_75 = arith.subf %add3A_73, %slice3A_74 : vector<128x128xf32>
    %lt3A_76 = arith.cmpf olt, %sub3A_75, %select_n3A_66 : vector<128x128xf32>
    %select_n3A_77 = arith.select %lt3A_76, %sub3A_75, %select_n3A_66 : vector<128x128xi1>, vector<128x128xf32>
    %jit3A_78 = arith.constant 6.000000e+00 : f32
    %broadcast_in_dim3A_79 = vector.broadcast %jit3A_78 : f32 to vector<128x128xf32>
    %select_n3A_80 = arith.select %lt3A_76, %broadcast_in_dim3A_79, %select_n3A_69 : vector<128x128xi1>, vector<128x128xf32>
    %slice3A_81 = vector.extract_strided_slice %broadcast_in_dim3A_10 {offsets = [0, 896], sizes = [1, 128], strides = [1, 1]} : vector<1x1024xf32> to vector<1x128xf32>
    %add3A_82 = vector.broadcast %slice3A : vector<128x1xf32> to vector<128x128xf32>
    %add3A_83 = vector.broadcast %slice3A_81 : vector<1x128xf32> to vector<128x128xf32>
    %add3A_84 = arith.addf %add3A_82, %add3A_83 : vector<128x128xf32>
    %slice3A_85 = vector.extract_strided_slice %dot_general3A_5 {offsets = [0, 896], sizes = [128, 128], strides = [1, 1]} : vector<1024x1024xf32> to vector<128x128xf32>
    %sub3A_86 = arith.subf %add3A_84, %slice3A_85 : vector<128x128xf32>
    %lt3A_87 = arith.cmpf olt, %sub3A_86, %select_n3A_77 : vector<128x128xf32>
    %select_n3A_88 = arith.select %lt3A_87, %sub3A_86, %select_n3A_77 : vector<128x128xi1>, vector<128x128xf32>
    %jit3A_89 = arith.constant 7.000000e+00 : f32
    %broadcast_in_dim3A_90 = vector.broadcast %jit3A_89 : f32 to vector<128x128xf32>
    %select_n3A_91 = arith.select %lt3A_87, %broadcast_in_dim3A_90, %select_n3A_80 : vector<128x128xi1>, vector<128x128xf32>
    %mul3A_92 = arith.constant 1.280000e+02 : f32
    %mul3A_93 = vector.broadcast %mul3A_92 : f32 to vector<128x128xf32>
    %mul3A_94 = arith.mulf %select_n3A_91, %mul3A_93 : vector<128x128xf32>
    %add3A_95 = arith.addf %mul3A_94, %convert_element_type3A : vector<128x128xf32>
    %reduce_min3A = arith.constant dense<0x7F800000> : vector<128xf32>
    %reduce_min3A_96 = vector.multi_reduction <minimumf>, %select_n3A_88, %reduce_min3A [1] : vector<128x128xf32> to vector<128xf32>
    %broadcast_in_dim3A_97 = vector.shape_cast %reduce_min3A_96 : vector<128xf32> to vector<128x1xf32>
    %eq3A = vector.broadcast %broadcast_in_dim3A_97 : vector<128x1xf32> to vector<128x128xf32>
    %eq3A_98 = arith.cmpf oeq, %select_n3A_88, %eq3A : vector<128x128xf32>
    %jit3A_99 = arith.constant 1.024000e+03 : f32
    %broadcast_in_dim3A_100 = vector.broadcast %jit3A_99 : f32 to vector<128x128xf32>
    %select_n3A_101 = arith.select %eq3A_98, %add3A_95, %broadcast_in_dim3A_100 : vector<128x128xi1>, vector<128x128xf32>
    %reduce_min3A_102 = arith.constant dense<0x7F800000> : vector<128xf32>
    %reduce_min3A_103 = vector.multi_reduction <minimumf>, %select_n3A_101, %reduce_min3A_102 [1] : vector<128x128xf32> to vector<128xf32>
    %convert_element_type3A_104 = arith.fptosi %reduce_min3A_103 : vector<128xf32> to vector<128xi32>
    %reshape3A = vector.shape_cast %convert_element_type3A_104 : vector<128xi32> to vector<1x128xi32>
    %swap3A = arith.constant 0 : index
    %swap3A_105 = arith.constant 0 : index
    %swap3A_106 = vector.load %arg3[%swap3A, %swap3A_105] : memref<8x128xi32, #tpu.memory_space<vmem>>, vector<1x128xi32>
    tpu.vector_store %arg3[%swap3A, %swap3A_105], %reshape3A {strides = array<i32>} : memref<8x128xi32, #tpu.memory_space<vmem>>, vector<1x128xi32>,
    %slice3A_107 = vector.extract_strided_slice %broadcast_in_dim3A {offsets = [128, 0], sizes = [128, 1], strides = [1, 1]} : vector<1024x1xf32> to vector<128x1xf32>
    %slice3A_108 = vector.extract_strided_slice %broadcast_in_dim3A_10 {offsets = [0, 0], sizes = [1, 128], strides = [1, 1]} : vector<1x1024xf32> to vector<1x128xf32>
    %add3A_109 = vector.broadcast %slice3A_107 : vector<128x1xf32> to vector<128x128xf32>
    %add3A_110 = vector.broadcast %slice3A_108 : vector<1x128xf32> to vector<128x128xf32>
    %add3A_111 = arith.addf %add3A_109, %add3A_110 : vector<128x128xf32>
    %slice3A_112 = vector.extract_strided_slice %dot_general3A_5 {offsets = [128, 0], sizes = [128, 128], strides = [1, 1]} : vector<1024x1024xf32> to vector<128x128xf32>
    %sub3A_113 = arith.subf %add3A_111, %slice3A_112 : vector<128x128xf32>
    %broadcast_in_dim3A_114 = arith.constant 0.000000e+00 : f32
    %broadcast_in_dim3A_115 = vector.broadcast %broadcast_in_dim3A_114 : f32 to vector<128x128xf32>
    %slice3A_116 = vector.extract_strided_slice %broadcast_in_dim3A_10 {offsets = [0, 128], sizes = [1, 128], strides = [1, 1]} : vector<1x1024xf32> to vector<1x128xf32>
    %add3A_117 = vector.broadcast %slice3A_107 : vector<128x1xf32> to vector<128x128xf32>
    %add3A_118 = vector.broadcast %slice3A_116 : vector<1x128xf32> to vector<128x128xf32>
    %add3A_119 = arith.addf %add3A_117, %add3A_118 : vector<128x128xf32>
    %slice3A_120 = vector.extract_strided_slice %dot_general3A_5 {offsets = [128, 128], sizes = [128, 128], strides = [1, 1]} : vector<1024x1024xf32> to vector<128x128xf32>
    %sub3A_121 = arith.subf %add3A_119, %slice3A_120 : vector<128x128xf32>
    %lt3A_122 = arith.cmpf olt, %sub3A_121, %sub3A_113 : vector<128x128xf32>
    %select_n3A_123 = arith.select %lt3A_122, %sub3A_121, %sub3A_113 : vector<128x128xi1>, vector<128x128xf32>
    %jit3A_124 = arith.constant 1.000000e+00 : f32
    %broadcast_in_dim3A_125 = vector.broadcast %jit3A_124 : f32 to vector<128x128xf32>
    %select_n3A_126 = arith.select %lt3A_122, %broadcast_in_dim3A_125, %broadcast_in_dim3A_115 : vector<128x128xi1>, vector<128x128xf32>
    %slice3A_127 = vector.extract_strided_slice %broadcast_in_dim3A_10 {offsets = [0, 256], sizes = [1, 128], strides = [1, 1]} : vector<1x1024xf32> to vector<1x128xf32>
    %add3A_128 = vector.broadcast %slice3A_107 : vector<128x1xf32> to vector<128x128xf32>
    %add3A_129 = vector.broadcast %slice3A_127 : vector<1x128xf32> to vector<128x128xf32>
    %add3A_130 = arith.addf %add3A_128, %add3A_129 : vector<128x128xf32>
    %slice3A_131 = vector.extract_strided_slice %dot_general3A_5 {offsets = [128, 256], sizes = [128, 128], strides = [1, 1]} : vector<1024x1024xf32> to vector<128x128xf32>
    %sub3A_132 = arith.subf %add3A_130, %slice3A_131 : vector<128x128xf32>
    %lt3A_133 = arith.cmpf olt, %sub3A_132, %select_n3A_123 : vector<128x128xf32>
    %select_n3A_134 = arith.select %lt3A_133, %sub3A_132, %select_n3A_123 : vector<128x128xi1>, vector<128x128xf32>
    %jit3A_135 = arith.constant 2.000000e+00 : f32
    %broadcast_in_dim3A_136 = vector.broadcast %jit3A_135 : f32 to vector<128x128xf32>
    %select_n3A_137 = arith.select %lt3A_133, %broadcast_in_dim3A_136, %select_n3A_126 : vector<128x128xi1>, vector<128x128xf32>
    %slice3A_138 = vector.extract_strided_slice %broadcast_in_dim3A_10 {offsets = [0, 384], sizes = [1, 128], strides = [1, 1]} : vector<1x1024xf32> to vector<1x128xf32>
    %add3A_139 = vector.broadcast %slice3A_107 : vector<128x1xf32> to vector<128x128xf32>
    %add3A_140 = vector.broadcast %slice3A_138 : vector<1x128xf32> to vector<128x128xf32>
    %add3A_141 = arith.addf %add3A_139, %add3A_140 : vector<128x128xf32>
    %slice3A_142 = vector.extract_strided_slice %dot_general3A_5 {offsets = [128, 384], sizes = [128, 128], strides = [1, 1]} : vector<1024x1024xf32> to vector<128x128xf32>
    %sub3A_143 = arith.subf %add3A_141, %slice3A_142 : vector<128x128xf32>
    %lt3A_144 = arith.cmpf olt, %sub3A_143, %select_n3A_134 : vector<128x128xf32>
    %select_n3A_145 = arith.select %lt3A_144, %sub3A_143, %select_n3A_134 : vector<128x128xi1>, vector<128x128xf32>
    %jit3A_146 = arith.constant 3.000000e+00 : f32
    %broadcast_in_dim3A_147 = vector.broadcast %jit3A_146 : f32 to vector<128x128xf32>
    %select_n3A_148 = arith.select %lt3A_144, %broadcast_in_dim3A_147, %select_n3A_137 : vector<128x128xi1>, vector<128x128xf32>
    %slice3A_149 = vector.extract_strided_slice %broadcast_in_dim3A_10 {offsets = [0, 512], sizes = [1, 128], strides = [1, 1]} : vector<1x1024xf32> to vector<1x128xf32>
    %add3A_150 = vector.broadcast %slice3A_107 : vector<128x1xf32> to vector<128x128xf32>
    %add3A_151 = vector.broadcast %slice3A_149 : vector<1x128xf32> to vector<128x128xf32>
    %add3A_152 = arith.addf %add3A_150, %add3A_151 : vector<128x128xf32>
    %slice3A_153 = vector.extract_strided_slice %dot_general3A_5 {offsets = [128, 512], sizes = [128, 128], strides = [1, 1]} : vector<1024x1024xf32> to vector<128x128xf32>
    %sub3A_154 = arith.subf %add3A_152, %slice3A_153 : vector<128x128xf32>
    %lt3A_155 = arith.cmpf olt, %sub3A_154, %select_n3A_145 : vector<128x128xf32>
    %select_n3A_156 = arith.select %lt3A_155, %sub3A_154, %select_n3A_145 : vector<128x128xi1>, vector<128x128xf32>
    %jit3A_157 = arith.constant 4.000000e+00 : f32
    %broadcast_in_dim3A_158 = vector.broadcast %jit3A_157 : f32 to vector<128x128xf32>
    %select_n3A_159 = arith.select %lt3A_155, %broadcast_in_dim3A_158, %select_n3A_148 : vector<128x128xi1>, vector<128x128xf32>
    %slice3A_160 = vector.extract_strided_slice %broadcast_in_dim3A_10 {offsets = [0, 640], sizes = [1, 128], strides = [1, 1]} : vector<1x1024xf32> to vector<1x128xf32>
    %add3A_161 = vector.broadcast %slice3A_107 : vector<128x1xf32> to vector<128x128xf32>
    %add3A_162 = vector.broadcast %slice3A_160 : vector<1x128xf32> to vector<128x128xf32>
    %add3A_163 = arith.addf %add3A_161, %add3A_162 : vector<128x128xf32>
    %slice3A_164 = vector.extract_strided_slice %dot_general3A_5 {offsets = [128, 640], sizes = [128, 128], strides = [1, 1]} : vector<1024x1024xf32> to vector<128x128xf32>
    %sub3A_165 = arith.subf %add3A_163, %slice3A_164 : vector<128x128xf32>
    %lt3A_166 = arith.cmpf olt, %sub3A_165, %select_n3A_156 : vector<128x128xf32>
    %select_n3A_167 = arith.select %lt3A_166, %sub3A_165, %select_n3A_156 : vector<128x128xi1>, vector<128x128xf32>
    %jit3A_168 = arith.constant 5.000000e+00 : f32
    %broadcast_in_dim3A_169 = vector.broadcast %jit3A_168 : f32 to vector<128x128xf32>
    %select_n3A_170 = arith.select %lt3A_166, %broadcast_in_dim3A_169, %select_n3A_159 : vector<128x128xi1>, vector<128x128xf32>
    %slice3A_171 = vector.extract_strided_slice %broadcast_in_dim3A_10 {offsets = [0, 768], sizes = [1, 128], strides = [1, 1]} : vector<1x1024xf32> to vector<1x128xf32>
    %add3A_172 = vector.broadcast %slice3A_107 : vector<128x1xf32> to vector<128x128xf32>
    %add3A_173 = vector.broadcast %slice3A_171 : vector<1x128xf32> to vector<128x128xf32>
    %add3A_174 = arith.addf %add3A_172, %add3A_173 : vector<128x128xf32>
    %slice3A_175 = vector.extract_strided_slice %dot_general3A_5 {offsets = [128, 768], sizes = [128, 128], strides = [1, 1]} : vector<1024x1024xf32> to vector<128x128xf32>
    %sub3A_176 = arith.subf %add3A_174, %slice3A_175 : vector<128x128xf32>
    %lt3A_177 = arith.cmpf olt, %sub3A_176, %select_n3A_167 : vector<128x128xf32>
    %select_n3A_178 = arith.select %lt3A_177, %sub3A_176, %select_n3A_167 : vector<128x128xi1>, vector<128x128xf32>
    %jit3A_179 = arith.constant 6.000000e+00 : f32
    %broadcast_in_dim3A_180 = vector.broadcast %jit3A_179 : f32 to vector<128x128xf32>
    %select_n3A_181 = arith.select %lt3A_177, %broadcast_in_dim3A_180, %select_n3A_170 : vector<128x128xi1>, vector<128x128xf32>
    %slice3A_182 = vector.extract_strided_slice %broadcast_in_dim3A_10 {offsets = [0, 896], sizes = [1, 128], strides = [1, 1]} : vector<1x1024xf32> to vector<1x128xf32>
    %add3A_183 = vector.broadcast %slice3A_107 : vector<128x1xf32> to vector<128x128xf32>
    %add3A_184 = vector.broadcast %slice3A_182 : vector<1x128xf32> to vector<128x128xf32>
    %add3A_185 = arith.addf %add3A_183, %add3A_184 : vector<128x128xf32>
    %slice3A_186 = vector.extract_strided_slice %dot_general3A_5 {offsets = [128, 896], sizes = [128, 128], strides = [1, 1]} : vector<1024x1024xf32> to vector<128x128xf32>
    %sub3A_187 = arith.subf %add3A_185, %slice3A_186 : vector<128x128xf32>
    %lt3A_188 = arith.cmpf olt, %sub3A_187, %select_n3A_178 : vector<128x128xf32>
    %select_n3A_189 = arith.select %lt3A_188, %sub3A_187, %select_n3A_178 : vector<128x128xi1>, vector<128x128xf32>
    %jit3A_190 = arith.constant 7.000000e+00 : f32
    %broadcast_in_dim3A_191 = vector.broadcast %jit3A_190 : f32 to vector<128x128xf32>
    %select_n3A_192 = arith.select %lt3A_188, %broadcast_in_dim3A_191, %select_n3A_181 : vector<128x128xi1>, vector<128x128xf32>
    %mul3A_193 = arith.constant 1.280000e+02 : f32
    %mul3A_194 = vector.broadcast %mul3A_193 : f32 to vector<128x128xf32>
    %mul3A_195 = arith.mulf %select_n3A_192, %mul3A_194 : vector<128x128xf32>
    %add3A_196 = arith.addf %mul3A_195, %convert_element_type3A : vector<128x128xf32>
    %reduce_min3A_197 = arith.constant dense<0x7F800000> : vector<128xf32>
    %reduce_min3A_198 = vector.multi_reduction <minimumf>, %select_n3A_189, %reduce_min3A_197 [1] : vector<128x128xf32> to vector<128xf32>
    %broadcast_in_dim3A_199 = vector.shape_cast %reduce_min3A_198 : vector<128xf32> to vector<128x1xf32>
    %eq3A_200 = vector.broadcast %broadcast_in_dim3A_199 : vector<128x1xf32> to vector<128x128xf32>
    %eq3A_201 = arith.cmpf oeq, %select_n3A_189, %eq3A_200 : vector<128x128xf32>
    %jit3A_202 = arith.constant 1.024000e+03 : f32
    %broadcast_in_dim3A_203 = vector.broadcast %jit3A_202 : f32 to vector<128x128xf32>
    %select_n3A_204 = arith.select %eq3A_201, %add3A_196, %broadcast_in_dim3A_203 : vector<128x128xi1>, vector<128x128xf32>
    %reduce_min3A_205 = arith.constant dense<0x7F800000> : vector<128xf32>
    %reduce_min3A_206 = vector.multi_reduction <minimumf>, %select_n3A_204, %reduce_min3A_205 [1] : vector<128x128xf32> to vector<128xf32>
    %convert_element_type3A_207 = arith.fptosi %reduce_min3A_206 : vector<128xf32> to vector<128xi32>
    %reshape3A_208 = vector.shape_cast %convert_element_type3A_207 : vector<128xi32> to vector<1x128xi32>
    %swap3A_209 = arith.constant 1 : index
    %swap3A_210 = arith.constant 0 : index
    %swap3A_211 = vector.load %arg3[%swap3A_209, %swap3A_210] : memref<8x128xi32, #tpu.memory_space<vmem>>, vector<1x128xi32>
    tpu.vector_store %arg3[%swap3A_209, %swap3A_210], %reshape3A_208 {strides = array<i32>} : memref<8x128xi32, #tpu.memory_space<vmem>>, vector<1x128xi32>,
    %slice3A_212 = vector.extract_strided_slice %broadcast_in_dim3A {offsets = [256, 0], sizes = [128, 1], strides = [1, 1]} : vector<1024x1xf32> to vector<128x1xf32>
    %slice3A_213 = vector.extract_strided_slice %broadcast_in_dim3A_10 {offsets = [0, 0], sizes = [1, 128], strides = [1, 1]} : vector<1x1024xf32> to vector<1x128xf32>
    %add3A_214 = vector.broadcast %slice3A_212 : vector<128x1xf32> to vector<128x128xf32>
    %add3A_215 = vector.broadcast %slice3A_213 : vector<1x128xf32> to vector<128x128xf32>
    %add3A_216 = arith.addf %add3A_214, %add3A_215 : vector<128x128xf32>
    %slice3A_217 = vector.extract_strided_slice %dot_general3A_5 {offsets = [256, 0], sizes = [128, 128], strides = [1, 1]} : vector<1024x1024xf32> to vector<128x128xf32>
    %sub3A_218 = arith.subf %add3A_216, %slice3A_217 : vector<128x128xf32>
    %broadcast_in_dim3A_219 = arith.constant 0.000000e+00 : f32
    %broadcast_in_dim3A_220 = vector.broadcast %broadcast_in_dim3A_219 : f32 to vector<128x128xf32>
    %slice3A_221 = vector.extract_strided_slice %broadcast_in_dim3A_10 {offsets = [0, 128], sizes = [1, 128], strides = [1, 1]} : vector<1x1024xf32> to vector<1x128xf32>
    %add3A_222 = vector.broadcast %slice3A_212 : vector<128x1xf32> to vector<128x128xf32>
    %add3A_223 = vector.broadcast %slice3A_221 : vector<1x128xf32> to vector<128x128xf32>
    %add3A_224 = arith.addf %add3A_222, %add3A_223 : vector<128x128xf32>
    %slice3A_225 = vector.extract_strided_slice %dot_general3A_5 {offsets = [256, 128], sizes = [128, 128], strides = [1, 1]} : vector<1024x1024xf32> to vector<128x128xf32>
    %sub3A_226 = arith.subf %add3A_224, %slice3A_225 : vector<128x128xf32>
    %lt3A_227 = arith.cmpf olt, %sub3A_226, %sub3A_218 : vector<128x128xf32>
    %select_n3A_228 = arith.select %lt3A_227, %sub3A_226, %sub3A_218 : vector<128x128xi1>, vector<128x128xf32>
    %jit3A_229 = arith.constant 1.000000e+00 : f32
    %broadcast_in_dim3A_230 = vector.broadcast %jit3A_229 : f32 to vector<128x128xf32>
    %select_n3A_231 = arith.select %lt3A_227, %broadcast_in_dim3A_230, %broadcast_in_dim3A_220 : vector<128x128xi1>, vector<128x128xf32>
    %slice3A_232 = vector.extract_strided_slice %broadcast_in_dim3A_10 {offsets = [0, 256], sizes = [1, 128], strides = [1, 1]} : vector<1x1024xf32> to vector<1x128xf32>
    %add3A_233 = vector.broadcast %slice3A_212 : vector<128x1xf32> to vector<128x128xf32>
    %add3A_234 = vector.broadcast %slice3A_232 : vector<1x128xf32> to vector<128x128xf32>
    %add3A_235 = arith.addf %add3A_233, %add3A_234 : vector<128x128xf32>
    %slice3A_236 = vector.extract_strided_slice %dot_general3A_5 {offsets = [256, 256], sizes = [128, 128], strides = [1, 1]} : vector<1024x1024xf32> to vector<128x128xf32>
    %sub3A_237 = arith.subf %add3A_235, %slice3A_236 : vector<128x128xf32>
    %lt3A_238 = arith.cmpf olt, %sub3A_237, %select_n3A_228 : vector<128x128xf32>
    %select_n3A_239 = arith.select %lt3A_238, %sub3A_237, %select_n3A_228 : vector<128x128xi1>, vector<128x128xf32>
    %jit3A_240 = arith.constant 2.000000e+00 : f32
    %broadcast_in_dim3A_241 = vector.broadcast %jit3A_240 : f32 to vector<128x128xf32>
    %select_n3A_242 = arith.select %lt3A_238, %broadcast_in_dim3A_241, %select_n3A_231 : vector<128x128xi1>, vector<128x128xf32>
    %slice3A_243 = vector.extract_strided_slice %broadcast_in_dim3A_10 {offsets = [0, 384], sizes = [1, 128], strides = [1, 1]} : vector<1x1024xf32> to vector<1x128xf32>
    %add3A_244 = vector.broadcast %slice3A_212 : vector<128x1xf32> to vector<128x128xf32>
    %add3A_245 = vector.broadcast %slice3A_243 : vector<1x128xf32> to vector<128x128xf32>
    %add3A_246 = arith.addf %add3A_244, %add3A_245 : vector<128x128xf32>
    %slice3A_247 = vector.extract_strided_slice %dot_general3A_5 {offsets = [256, 384], sizes = [128, 128], strides = [1, 1]} : vector<1024x1024xf32> to vector<128x128xf32>
    %sub3A_248 = arith.subf %add3A_246, %slice3A_247 : vector<128x128xf32>
    %lt3A_249 = arith.cmpf olt, %sub3A_248, %select_n3A_239 : vector<128x128xf32>
    %select_n3A_250 = arith.select %lt3A_249, %sub3A_248, %select_n3A_239 : vector<128x128xi1>, vector<128x128xf32>
    %jit3A_251 = arith.constant 3.000000e+00 : f32
    %broadcast_in_dim3A_252 = vector.broadcast %jit3A_251 : f32 to vector<128x128xf32>
    %select_n3A_253 = arith.select %lt3A_249, %broadcast_in_dim3A_252, %select_n3A_242 : vector<128x128xi1>, vector<128x128xf32>
    %slice3A_254 = vector.extract_strided_slice %broadcast_in_dim3A_10 {offsets = [0, 512], sizes = [1, 128], strides = [1, 1]} : vector<1x1024xf32> to vector<1x128xf32>
    %add3A_255 = vector.broadcast %slice3A_212 : vector<128x1xf32> to vector<128x128xf32>
    %add3A_256 = vector.broadcast %slice3A_254 : vector<1x128xf32> to vector<128x128xf32>
    %add3A_257 = arith.addf %add3A_255, %add3A_256 : vector<128x128xf32>
    %slice3A_258 = vector.extract_strided_slice %dot_general3A_5 {offsets = [256, 512], sizes = [128, 128], strides = [1, 1]} : vector<1024x1024xf32> to vector<128x128xf32>
    %sub3A_259 = arith.subf %add3A_257, %slice3A_258 : vector<128x128xf32>
    %lt3A_260 = arith.cmpf olt, %sub3A_259, %select_n3A_250 : vector<128x128xf32>
    %select_n3A_261 = arith.select %lt3A_260, %sub3A_259, %select_n3A_250 : vector<128x128xi1>, vector<128x128xf32>
    %jit3A_262 = arith.constant 4.000000e+00 : f32
    %broadcast_in_dim3A_263 = vector.broadcast %jit3A_262 : f32 to vector<128x128xf32>
    %select_n3A_264 = arith.select %lt3A_260, %broadcast_in_dim3A_263, %select_n3A_253 : vector<128x128xi1>, vector<128x128xf32>
    %slice3A_265 = vector.extract_strided_slice %broadcast_in_dim3A_10 {offsets = [0, 640], sizes = [1, 128], strides = [1, 1]} : vector<1x1024xf32> to vector<1x128xf32>
    %add3A_266 = vector.broadcast %slice3A_212 : vector<128x1xf32> to vector<128x128xf32>
    %add3A_267 = vector.broadcast %slice3A_265 : vector<1x128xf32> to vector<128x128xf32>
    %add3A_268 = arith.addf %add3A_266, %add3A_267 : vector<128x128xf32>
    %slice3A_269 = vector.extract_strided_slice %dot_general3A_5 {offsets = [256, 640], sizes = [128, 128], strides = [1, 1]} : vector<1024x1024xf32> to vector<128x128xf32>
    %sub3A_270 = arith.subf %add3A_268, %slice3A_269 : vector<128x128xf32>
    %lt3A_271 = arith.cmpf olt, %sub3A_270, %select_n3A_261 : vector<128x128xf32>
    %select_n3A_272 = arith.select %lt3A_271, %sub3A_270, %select_n3A_261 : vector<128x128xi1>, vector<128x128xf32>
    %jit3A_273 = arith.constant 5.000000e+00 : f32
    %broadcast_in_dim3A_274 = vector.broadcast %jit3A_273 : f32 to vector<128x128xf32>
    %select_n3A_275 = arith.select %lt3A_271, %broadcast_in_dim3A_274, %select_n3A_264 : vector<128x128xi1>, vector<128x128xf32>
    %slice3A_276 = vector.extract_strided_slice %broadcast_in_dim3A_10 {offsets = [0, 768], sizes = [1, 128], strides = [1, 1]} : vector<1x1024xf32> to vector<1x128xf32>
    %add3A_277 = vector.broadcast %slice3A_212 : vector<128x1xf32> to vector<128x128xf32>
    %add3A_278 = vector.broadcast %slice3A_276 : vector<1x128xf32> to vector<128x128xf32>
    %add3A_279 = arith.addf %add3A_277, %add3A_278 : vector<128x128xf32>
    %slice3A_280 = vector.extract_strided_slice %dot_general3A_5 {offsets = [256, 768], sizes = [128, 128], strides = [1, 1]} : vector<1024x1024xf32> to vector<128x128xf32>
    %sub3A_281 = arith.subf %add3A_279, %slice3A_280 : vector<128x128xf32>
    %lt3A_282 = arith.cmpf olt, %sub3A_281, %select_n3A_272 : vector<128x128xf32>
    %select_n3A_283 = arith.select %lt3A_282, %sub3A_281, %select_n3A_272 : vector<128x128xi1>, vector<128x128xf32>
    %jit3A_284 = arith.constant 6.000000e+00 : f32
    %broadcast_in_dim3A_285 = vector.broadcast %jit3A_284 : f32 to vector<128x128xf32>
    %select_n3A_286 = arith.select %lt3A_282, %broadcast_in_dim3A_285, %select_n3A_275 : vector<128x128xi1>, vector<128x128xf32>
    %slice3A_287 = vector.extract_strided_slice %broadcast_in_dim3A_10 {offsets = [0, 896], sizes = [1, 128], strides = [1, 1]} : vector<1x1024xf32> to vector<1x128xf32>
    %add3A_288 = vector.broadcast %slice3A_212 : vector<128x1xf32> to vector<128x128xf32>
    %add3A_289 = vector.broadcast %slice3A_287 : vector<1x128xf32> to vector<128x128xf32>
    %add3A_290 = arith.addf %add3A_288, %add3A_289 : vector<128x128xf32>
    %slice3A_291 = vector.extract_strided_slice %dot_general3A_5 {offsets = [256, 896], sizes = [128, 128], strides = [1, 1]} : vector<1024x1024xf32> to vector<128x128xf32>
    %sub3A_292 = arith.subf %add3A_290, %slice3A_291 : vector<128x128xf32>
    %lt3A_293 = arith.cmpf olt, %sub3A_292, %select_n3A_283 : vector<128x128xf32>
    %select_n3A_294 = arith.select %lt3A_293, %sub3A_292, %select_n3A_283 : vector<128x128xi1>, vector<128x128xf32>
    %jit3A_295 = arith.constant 7.000000e+00 : f32
    %broadcast_in_dim3A_296 = vector.broadcast %jit3A_295 : f32 to vector<128x128xf32>
    %select_n3A_297 = arith.select %lt3A_293, %broadcast_in_dim3A_296, %select_n3A_286 : vector<128x128xi1>, vector<128x128xf32>
    %mul3A_298 = arith.constant 1.280000e+02 : f32
    %mul3A_299 = vector.broadcast %mul3A_298 : f32 to vector<128x128xf32>
    %mul3A_300 = arith.mulf %select_n3A_297, %mul3A_299 : vector<128x128xf32>
    %add3A_301 = arith.addf %mul3A_300, %convert_element_type3A : vector<128x128xf32>
    %reduce_min3A_302 = arith.constant dense<0x7F800000> : vector<128xf32>
    %reduce_min3A_303 = vector.multi_reduction <minimumf>, %select_n3A_294, %reduce_min3A_302 [1] : vector<128x128xf32> to vector<128xf32>
    %broadcast_in_dim3A_304 = vector.shape_cast %reduce_min3A_303 : vector<128xf32> to vector<128x1xf32>
    %eq3A_305 = vector.broadcast %broadcast_in_dim3A_304 : vector<128x1xf32> to vector<128x128xf32>
    %eq3A_306 = arith.cmpf oeq, %select_n3A_294, %eq3A_305 : vector<128x128xf32>
    %jit3A_307 = arith.constant 1.024000e+03 : f32
    %broadcast_in_dim3A_308 = vector.broadcast %jit3A_307 : f32 to vector<128x128xf32>
    %select_n3A_309 = arith.select %eq3A_306, %add3A_301, %broadcast_in_dim3A_308 : vector<128x128xi1>, vector<128x128xf32>
    %reduce_min3A_310 = arith.constant dense<0x7F800000> : vector<128xf32>
    %reduce_min3A_311 = vector.multi_reduction <minimumf>, %select_n3A_309, %reduce_min3A_310 [1] : vector<128x128xf32> to vector<128xf32>
    %convert_element_type3A_312 = arith.fptosi %reduce_min3A_311 : vector<128xf32> to vector<128xi32>
    %reshape3A_313 = vector.shape_cast %convert_element_type3A_312 : vector<128xi32> to vector<1x128xi32>
    %swap3A_314 = arith.constant 2 : index
    %swap3A_315 = arith.constant 0 : index
    %swap3A_316 = vector.load %arg3[%swap3A_314, %swap3A_315] : memref<8x128xi32, #tpu.memory_space<vmem>>, vector<1x128xi32>
    tpu.vector_store %arg3[%swap3A_314, %swap3A_315], %reshape3A_313 {strides = array<i32>} : memref<8x128xi32, #tpu.memory_space<vmem>>, vector<1x128xi32>,
    %slice3A_317 = vector.extract_strided_slice %broadcast_in_dim3A {offsets = [384, 0], sizes = [128, 1], strides = [1, 1]} : vector<1024x1xf32> to vector<128x1xf32>
    %slice3A_318 = vector.extract_strided_slice %broadcast_in_dim3A_10 {offsets = [0, 0], sizes = [1, 128], strides = [1, 1]} : vector<1x1024xf32> to vector<1x128xf32>
    %add3A_319 = vector.broadcast %slice3A_317 : vector<128x1xf32> to vector<128x128xf32>
    %add3A_320 = vector.broadcast %slice3A_318 : vector<1x128xf32> to vector<128x128xf32>
    %add3A_321 = arith.addf %add3A_319, %add3A_320 : vector<128x128xf32>
    %slice3A_322 = vector.extract_strided_slice %dot_general3A_5 {offsets = [384, 0], sizes = [128, 128], strides = [1, 1]} : vector<1024x1024xf32> to vector<128x128xf32>
    %sub3A_323 = arith.subf %add3A_321, %slice3A_322 : vector<128x128xf32>
    %broadcast_in_dim3A_324 = arith.constant 0.000000e+00 : f32
    %broadcast_in_dim3A_325 = vector.broadcast %broadcast_in_dim3A_324 : f32 to vector<128x128xf32>
    %slice3A_326 = vector.extract_strided_slice %broadcast_in_dim3A_10 {offsets = [0, 128], sizes = [1, 128], strides = [1, 1]} : vector<1x1024xf32> to vector<1x128xf32>
    %add3A_327 = vector.broadcast %slice3A_317 : vector<128x1xf32> to vector<128x128xf32>
    %add3A_328 = vector.broadcast %slice3A_326 : vector<1x128xf32> to vector<128x128xf32>
    %add3A_329 = arith.addf %add3A_327, %add3A_328 : vector<128x128xf32>
    %slice3A_330 = vector.extract_strided_slice %dot_general3A_5 {offsets = [384, 128], sizes = [128, 128], strides = [1, 1]} : vector<1024x1024xf32> to vector<128x128xf32>
    %sub3A_331 = arith.subf %add3A_329, %slice3A_330 : vector<128x128xf32>
    %lt3A_332 = arith.cmpf olt, %sub3A_331, %sub3A_323 : vector<128x128xf32>
    %select_n3A_333 = arith.select %lt3A_332, %sub3A_331, %sub3A_323 : vector<128x128xi1>, vector<128x128xf32>
    %jit3A_334 = arith.constant 1.000000e+00 : f32
    %broadcast_in_dim3A_335 = vector.broadcast %jit3A_334 : f32 to vector<128x128xf32>
    %select_n3A_336 = arith.select %lt3A_332, %broadcast_in_dim3A_335, %broadcast_in_dim3A_325 : vector<128x128xi1>, vector<128x128xf32>
    %slice3A_337 = vector.extract_strided_slice %broadcast_in_dim3A_10 {offsets = [0, 256], sizes = [1, 128], strides = [1, 1]} : vector<1x1024xf32> to vector<1x128xf32>
    %add3A_338 = vector.broadcast %slice3A_317 : vector<128x1xf32> to vector<128x128xf32>
    %add3A_339 = vector.broadcast %slice3A_337 : vector<1x128xf32> to vector<128x128xf32>
    %add3A_340 = arith.addf %add3A_338, %add3A_339 : vector<128x128xf32>
    %slice3A_341 = vector.extract_strided_slice %dot_general3A_5 {offsets = [384, 256], sizes = [128, 128], strides = [1, 1]} : vector<1024x1024xf32> to vector<128x128xf32>
    %sub3A_342 = arith.subf %add3A_340, %slice3A_341 : vector<128x128xf32>
    %lt3A_343 = arith.cmpf olt, %sub3A_342, %select_n3A_333 : vector<128x128xf32>
    %select_n3A_344 = arith.select %lt3A_343, %sub3A_342, %select_n3A_333 : vector<128x128xi1>, vector<128x128xf32>
    %jit3A_345 = arith.constant 2.000000e+00 : f32
    %broadcast_in_dim3A_346 = vector.broadcast %jit3A_345 : f32 to vector<128x128xf32>
    %select_n3A_347 = arith.select %lt3A_343, %broadcast_in_dim3A_346, %select_n3A_336 : vector<128x128xi1>, vector<128x128xf32>
    %slice3A_348 = vector.extract_strided_slice %broadcast_in_dim3A_10 {offsets = [0, 384], sizes = [1, 128], strides = [1, 1]} : vector<1x1024xf32> to vector<1x128xf32>
    %add3A_349 = vector.broadcast %slice3A_317 : vector<128x1xf32> to vector<128x128xf32>
    %add3A_350 = vector.broadcast %slice3A_348 : vector<1x128xf32> to vector<128x128xf32>
    %add3A_351 = arith.addf %add3A_349, %add3A_350 : vector<128x128xf32>
    %slice3A_352 = vector.extract_strided_slice %dot_general3A_5 {offsets = [384, 384], sizes = [128, 128], strides = [1, 1]} : vector<1024x1024xf32> to vector<128x128xf32>
    %sub3A_353 = arith.subf %add3A_351, %slice3A_352 : vector<128x128xf32>
    %lt3A_354 = arith.cmpf olt, %sub3A_353, %select_n3A_344 : vector<128x128xf32>
    %select_n3A_355 = arith.select %lt3A_354, %sub3A_353, %select_n3A_344 : vector<128x128xi1>, vector<128x128xf32>
    %jit3A_356 = arith.constant 3.000000e+00 : f32
    %broadcast_in_dim3A_357 = vector.broadcast %jit3A_356 : f32 to vector<128x128xf32>
    %select_n3A_358 = arith.select %lt3A_354, %broadcast_in_dim3A_357, %select_n3A_347 : vector<128x128xi1>, vector<128x128xf32>
    %slice3A_359 = vector.extract_strided_slice %broadcast_in_dim3A_10 {offsets = [0, 512], sizes = [1, 128], strides = [1, 1]} : vector<1x1024xf32> to vector<1x128xf32>
    %add3A_360 = vector.broadcast %slice3A_317 : vector<128x1xf32> to vector<128x128xf32>
    %add3A_361 = vector.broadcast %slice3A_359 : vector<1x128xf32> to vector<128x128xf32>
    %add3A_362 = arith.addf %add3A_360, %add3A_361 : vector<128x128xf32>
    %slice3A_363 = vector.extract_strided_slice %dot_general3A_5 {offsets = [384, 512], sizes = [128, 128], strides = [1, 1]} : vector<1024x1024xf32> to vector<128x128xf32>
    %sub3A_364 = arith.subf %add3A_362, %slice3A_363 : vector<128x128xf32>
    %lt3A_365 = arith.cmpf olt, %sub3A_364, %select_n3A_355 : vector<128x128xf32>
    %select_n3A_366 = arith.select %lt3A_365, %sub3A_364, %select_n3A_355 : vector<128x128xi1>, vector<128x128xf32>
    %jit3A_367 = arith.constant 4.000000e+00 : f32
    %broadcast_in_dim3A_368 = vector.broadcast %jit3A_367 : f32 to vector<128x128xf32>
    %select_n3A_369 = arith.select %lt3A_365, %broadcast_in_dim3A_368, %select_n3A_358 : vector<128x128xi1>, vector<128x128xf32>
    %slice3A_370 = vector.extract_strided_slice %broadcast_in_dim3A_10 {offsets = [0, 640], sizes = [1, 128], strides = [1, 1]} : vector<1x1024xf32> to vector<1x128xf32>
    %add3A_371 = vector.broadcast %slice3A_317 : vector<128x1xf32> to vector<128x128xf32>
    %add3A_372 = vector.broadcast %slice3A_370 : vector<1x128xf32> to vector<128x128xf32>
    %add3A_373 = arith.addf %add3A_371, %add3A_372 : vector<128x128xf32>
    %slice3A_374 = vector.extract_strided_slice %dot_general3A_5 {offsets = [384, 640], sizes = [128, 128], strides = [1, 1]} : vector<1024x1024xf32> to vector<128x128xf32>
    %sub3A_375 = arith.subf %add3A_373, %slice3A_374 : vector<128x128xf32>
    %lt3A_376 = arith.cmpf olt, %sub3A_375, %select_n3A_366 : vector<128x128xf32>
    %select_n3A_377 = arith.select %lt3A_376, %sub3A_375, %select_n3A_366 : vector<128x128xi1>, vector<128x128xf32>
    %jit3A_378 = arith.constant 5.000000e+00 : f32
    %broadcast_in_dim3A_379 = vector.broadcast %jit3A_378 : f32 to vector<128x128xf32>
    %select_n3A_380 = arith.select %lt3A_376, %broadcast_in_dim3A_379, %select_n3A_369 : vector<128x128xi1>, vector<128x128xf32>
    %slice3A_381 = vector.extract_strided_slice %broadcast_in_dim3A_10 {offsets = [0, 768], sizes = [1, 128], strides = [1, 1]} : vector<1x1024xf32> to vector<1x128xf32>
    %add3A_382 = vector.broadcast %slice3A_317 : vector<128x1xf32> to vector<128x128xf32>
    %add3A_383 = vector.broadcast %slice3A_381 : vector<1x128xf32> to vector<128x128xf32>
    %add3A_384 = arith.addf %add3A_382, %add3A_383 : vector<128x128xf32>
    %slice3A_385 = vector.extract_strided_slice %dot_general3A_5 {offsets = [384, 768], sizes = [128, 128], strides = [1, 1]} : vector<1024x1024xf32> to vector<128x128xf32>
    %sub3A_386 = arith.subf %add3A_384, %slice3A_385 : vector<128x128xf32>
    %lt3A_387 = arith.cmpf olt, %sub3A_386, %select_n3A_377 : vector<128x128xf32>
    %select_n3A_388 = arith.select %lt3A_387, %sub3A_386, %select_n3A_377 : vector<128x128xi1>, vector<128x128xf32>
    %jit3A_389 = arith.constant 6.000000e+00 : f32
    %broadcast_in_dim3A_390 = vector.broadcast %jit3A_389 : f32 to vector<128x128xf32>
    %select_n3A_391 = arith.select %lt3A_387, %broadcast_in_dim3A_390, %select_n3A_380 : vector<128x128xi1>, vector<128x128xf32>
    %slice3A_392 = vector.extract_strided_slice %broadcast_in_dim3A_10 {offsets = [0, 896], sizes = [1, 128], strides = [1, 1]} : vector<1x1024xf32> to vector<1x128xf32>
    %add3A_393 = vector.broadcast %slice3A_317 : vector<128x1xf32> to vector<128x128xf32>
    %add3A_394 = vector.broadcast %slice3A_392 : vector<1x128xf32> to vector<128x128xf32>
    %add3A_395 = arith.addf %add3A_393, %add3A_394 : vector<128x128xf32>
    %slice3A_396 = vector.extract_strided_slice %dot_general3A_5 {offsets = [384, 896], sizes = [128, 128], strides = [1, 1]} : vector<1024x1024xf32> to vector<128x128xf32>
    %sub3A_397 = arith.subf %add3A_395, %slice3A_396 : vector<128x128xf32>
    %lt3A_398 = arith.cmpf olt, %sub3A_397, %select_n3A_388 : vector<128x128xf32>
    %select_n3A_399 = arith.select %lt3A_398, %sub3A_397, %select_n3A_388 : vector<128x128xi1>, vector<128x128xf32>
    %jit3A_400 = arith.constant 7.000000e+00 : f32
    %broadcast_in_dim3A_401 = vector.broadcast %jit3A_400 : f32 to vector<128x128xf32>
    %select_n3A_402 = arith.select %lt3A_398, %broadcast_in_dim3A_401, %select_n3A_391 : vector<128x128xi1>, vector<128x128xf32>
    %mul3A_403 = arith.constant 1.280000e+02 : f32
    %mul3A_404 = vector.broadcast %mul3A_403 : f32 to vector<128x128xf32>
    %mul3A_405 = arith.mulf %select_n3A_402, %mul3A_404 : vector<128x128xf32>
    %add3A_406 = arith.addf %mul3A_405, %convert_element_type3A : vector<128x128xf32>
    %reduce_min3A_407 = arith.constant dense<0x7F800000> : vector<128xf32>
    %reduce_min3A_408 = vector.multi_reduction <minimumf>, %select_n3A_399, %reduce_min3A_407 [1] : vector<128x128xf32> to vector<128xf32>
    %broadcast_in_dim3A_409 = vector.shape_cast %reduce_min3A_408 : vector<128xf32> to vector<128x1xf32>
    %eq3A_410 = vector.broadcast %broadcast_in_dim3A_409 : vector<128x1xf32> to vector<128x128xf32>
    %eq3A_411 = arith.cmpf oeq, %select_n3A_399, %eq3A_410 : vector<128x128xf32>
    %jit3A_412 = arith.constant 1.024000e+03 : f32
    %broadcast_in_dim3A_413 = vector.broadcast %jit3A_412 : f32 to vector<128x128xf32>
    %select_n3A_414 = arith.select %eq3A_411, %add3A_406, %broadcast_in_dim3A_413 : vector<128x128xi1>, vector<128x128xf32>
    %reduce_min3A_415 = arith.constant dense<0x7F800000> : vector<128xf32>
    %reduce_min3A_416 = vector.multi_reduction <minimumf>, %select_n3A_414, %reduce_min3A_415 [1] : vector<128x128xf32> to vector<128xf32>
    %convert_element_type3A_417 = arith.fptosi %reduce_min3A_416 : vector<128xf32> to vector<128xi32>
    %reshape3A_418 = vector.shape_cast %convert_element_type3A_417 : vector<128xi32> to vector<1x128xi32>
    %swap3A_419 = arith.constant 3 : index
    %swap3A_420 = arith.constant 0 : index
    %swap3A_421 = vector.load %arg3[%swap3A_419, %swap3A_420] : memref<8x128xi32, #tpu.memory_space<vmem>>, vector<1x128xi32>
    tpu.vector_store %arg3[%swap3A_419, %swap3A_420], %reshape3A_418 {strides = array<i32>} : memref<8x128xi32, #tpu.memory_space<vmem>>, vector<1x128xi32>,
    %slice3A_422 = vector.extract_strided_slice %broadcast_in_dim3A {offsets = [512, 0], sizes = [128, 1], strides = [1, 1]} : vector<1024x1xf32> to vector<128x1xf32>
    %slice3A_423 = vector.extract_strided_slice %broadcast_in_dim3A_10 {offsets = [0, 0], sizes = [1, 128], strides = [1, 1]} : vector<1x1024xf32> to vector<1x128xf32>
    %add3A_424 = vector.broadcast %slice3A_422 : vector<128x1xf32> to vector<128x128xf32>
    %add3A_425 = vector.broadcast %slice3A_423 : vector<1x128xf32> to vector<128x128xf32>
    %add3A_426 = arith.addf %add3A_424, %add3A_425 : vector<128x128xf32>
    %slice3A_427 = vector.extract_strided_slice %dot_general3A_5 {offsets = [512, 0], sizes = [128, 128], strides = [1, 1]} : vector<1024x1024xf32> to vector<128x128xf32>
    %sub3A_428 = arith.subf %add3A_426, %slice3A_427 : vector<128x128xf32>
    %broadcast_in_dim3A_429 = arith.constant 0.000000e+00 : f32
    %broadcast_in_dim3A_430 = vector.broadcast %broadcast_in_dim3A_429 : f32 to vector<128x128xf32>
    %slice3A_431 = vector.extract_strided_slice %broadcast_in_dim3A_10 {offsets = [0, 128], sizes = [1, 128], strides = [1, 1]} : vector<1x1024xf32> to vector<1x128xf32>
    %add3A_432 = vector.broadcast %slice3A_422 : vector<128x1xf32> to vector<128x128xf32>
    %add3A_433 = vector.broadcast %slice3A_431 : vector<1x128xf32> to vector<128x128xf32>
    %add3A_434 = arith.addf %add3A_432, %add3A_433 : vector<128x128xf32>
    %slice3A_435 = vector.extract_strided_slice %dot_general3A_5 {offsets = [512, 128], sizes = [128, 128], strides = [1, 1]} : vector<1024x1024xf32> to vector<128x128xf32>
    %sub3A_436 = arith.subf %add3A_434, %slice3A_435 : vector<128x128xf32>
    %lt3A_437 = arith.cmpf olt, %sub3A_436, %sub3A_428 : vector<128x128xf32>
    %select_n3A_438 = arith.select %lt3A_437, %sub3A_436, %sub3A_428 : vector<128x128xi1>, vector<128x128xf32>
    %jit3A_439 = arith.constant 1.000000e+00 : f32
    %broadcast_in_dim3A_440 = vector.broadcast %jit3A_439 : f32 to vector<128x128xf32>
    %select_n3A_441 = arith.select %lt3A_437, %broadcast_in_dim3A_440, %broadcast_in_dim3A_430 : vector<128x128xi1>, vector<128x128xf32>
    %slice3A_442 = vector.extract_strided_slice %broadcast_in_dim3A_10 {offsets = [0, 256], sizes = [1, 128], strides = [1, 1]} : vector<1x1024xf32> to vector<1x128xf32>
    %add3A_443 = vector.broadcast %slice3A_422 : vector<128x1xf32> to vector<128x128xf32>
    %add3A_444 = vector.broadcast %slice3A_442 : vector<1x128xf32> to vector<128x128xf32>
    %add3A_445 = arith.addf %add3A_443, %add3A_444 : vector<128x128xf32>
    %slice3A_446 = vector.extract_strided_slice %dot_general3A_5 {offsets = [512, 256], sizes = [128, 128], strides = [1, 1]} : vector<1024x1024xf32> to vector<128x128xf32>
    %sub3A_447 = arith.subf %add3A_445, %slice3A_446 : vector<128x128xf32>
    %lt3A_448 = arith.cmpf olt, %sub3A_447, %select_n3A_438 : vector<128x128xf32>
    %select_n3A_449 = arith.select %lt3A_448, %sub3A_447, %select_n3A_438 : vector<128x128xi1>, vector<128x128xf32>
    %jit3A_450 = arith.constant 2.000000e+00 : f32
    %broadcast_in_dim3A_451 = vector.broadcast %jit3A_450 : f32 to vector<128x128xf32>
    %select_n3A_452 = arith.select %lt3A_448, %broadcast_in_dim3A_451, %select_n3A_441 : vector<128x128xi1>, vector<128x128xf32>
    %slice3A_453 = vector.extract_strided_slice %broadcast_in_dim3A_10 {offsets = [0, 384], sizes = [1, 128], strides = [1, 1]} : vector<1x1024xf32> to vector<1x128xf32>
    %add3A_454 = vector.broadcast %slice3A_422 : vector<128x1xf32> to vector<128x128xf32>
    %add3A_455 = vector.broadcast %slice3A_453 : vector<1x128xf32> to vector<128x128xf32>
    %add3A_456 = arith.addf %add3A_454, %add3A_455 : vector<128x128xf32>
    %slice3A_457 = vector.extract_strided_slice %dot_general3A_5 {offsets = [512, 384], sizes = [128, 128], strides = [1, 1]} : vector<1024x1024xf32> to vector<128x128xf32>
    %sub3A_458 = arith.subf %add3A_456, %slice3A_457 : vector<128x128xf32>
    %lt3A_459 = arith.cmpf olt, %sub3A_458, %select_n3A_449 : vector<128x128xf32>
    %select_n3A_460 = arith.select %lt3A_459, %sub3A_458, %select_n3A_449 : vector<128x128xi1>, vector<128x128xf32>
    %jit3A_461 = arith.constant 3.000000e+00 : f32
    %broadcast_in_dim3A_462 = vector.broadcast %jit3A_461 : f32 to vector<128x128xf32>
    %select_n3A_463 = arith.select %lt3A_459, %broadcast_in_dim3A_462, %select_n3A_452 : vector<128x128xi1>, vector<128x128xf32>
    %slice3A_464 = vector.extract_strided_slice %broadcast_in_dim3A_10 {offsets = [0, 512], sizes = [1, 128], strides = [1, 1]} : vector<1x1024xf32> to vector<1x128xf32>
    %add3A_465 = vector.broadcast %slice3A_422 : vector<128x1xf32> to vector<128x128xf32>
    %add3A_466 = vector.broadcast %slice3A_464 : vector<1x128xf32> to vector<128x128xf32>
    %add3A_467 = arith.addf %add3A_465, %add3A_466 : vector<128x128xf32>
    %slice3A_468 = vector.extract_strided_slice %dot_general3A_5 {offsets = [512, 512], sizes = [128, 128], strides = [1, 1]} : vector<1024x1024xf32> to vector<128x128xf32>
    %sub3A_469 = arith.subf %add3A_467, %slice3A_468 : vector<128x128xf32>
    %lt3A_470 = arith.cmpf olt, %sub3A_469, %select_n3A_460 : vector<128x128xf32>
    %select_n3A_471 = arith.select %lt3A_470, %sub3A_469, %select_n3A_460 : vector<128x128xi1>, vector<128x128xf32>
    %jit3A_472 = arith.constant 4.000000e+00 : f32
    %broadcast_in_dim3A_473 = vector.broadcast %jit3A_472 : f32 to vector<128x128xf32>
    %select_n3A_474 = arith.select %lt3A_470, %broadcast_in_dim3A_473, %select_n3A_463 : vector<128x128xi1>, vector<128x128xf32>
    %slice3A_475 = vector.extract_strided_slice %broadcast_in_dim3A_10 {offsets = [0, 640], sizes = [1, 128], strides = [1, 1]} : vector<1x1024xf32> to vector<1x128xf32>
    %add3A_476 = vector.broadcast %slice3A_422 : vector<128x1xf32> to vector<128x128xf32>
    %add3A_477 = vector.broadcast %slice3A_475 : vector<1x128xf32> to vector<128x128xf32>
    %add3A_478 = arith.addf %add3A_476, %add3A_477 : vector<128x128xf32>
    %slice3A_479 = vector.extract_strided_slice %dot_general3A_5 {offsets = [512, 640], sizes = [128, 128], strides = [1, 1]} : vector<1024x1024xf32> to vector<128x128xf32>
    %sub3A_480 = arith.subf %add3A_478, %slice3A_479 : vector<128x128xf32>
    %lt3A_481 = arith.cmpf olt, %sub3A_480, %select_n3A_471 : vector<128x128xf32>
    %select_n3A_482 = arith.select %lt3A_481, %sub3A_480, %select_n3A_471 : vector<128x128xi1>, vector<128x128xf32>
    %jit3A_483 = arith.constant 5.000000e+00 : f32
    %broadcast_in_dim3A_484 = vector.broadcast %jit3A_483 : f32 to vector<128x128xf32>
    %select_n3A_485 = arith.select %lt3A_481, %broadcast_in_dim3A_484, %select_n3A_474 : vector<128x128xi1>, vector<128x128xf32>
    %slice3A_486 = vector.extract_strided_slice %broadcast_in_dim3A_10 {offsets = [0, 768], sizes = [1, 128], strides = [1, 1]} : vector<1x1024xf32> to vector<1x128xf32>
    %add3A_487 = vector.broadcast %slice3A_422 : vector<128x1xf32> to vector<128x128xf32>
    %add3A_488 = vector.broadcast %slice3A_486 : vector<1x128xf32> to vector<128x128xf32>
    %add3A_489 = arith.addf %add3A_487, %add3A_488 : vector<128x128xf32>
    %slice3A_490 = vector.extract_strided_slice %dot_general3A_5 {offsets = [512, 768], sizes = [128, 128], strides = [1, 1]} : vector<1024x1024xf32> to vector<128x128xf32>
    %sub3A_491 = arith.subf %add3A_489, %slice3A_490 : vector<128x128xf32>
    %lt3A_492 = arith.cmpf olt, %sub3A_491, %select_n3A_482 : vector<128x128xf32>
    %select_n3A_493 = arith.select %lt3A_492, %sub3A_491, %select_n3A_482 : vector<128x128xi1>, vector<128x128xf32>
    %jit3A_494 = arith.constant 6.000000e+00 : f32
    %broadcast_in_dim3A_495 = vector.broadcast %jit3A_494 : f32 to vector<128x128xf32>
    %select_n3A_496 = arith.select %lt3A_492, %broadcast_in_dim3A_495, %select_n3A_485 : vector<128x128xi1>, vector<128x128xf32>
    %slice3A_497 = vector.extract_strided_slice %broadcast_in_dim3A_10 {offsets = [0, 896], sizes = [1, 128], strides = [1, 1]} : vector<1x1024xf32> to vector<1x128xf32>
    %add3A_498 = vector.broadcast %slice3A_422 : vector<128x1xf32> to vector<128x128xf32>
    %add3A_499 = vector.broadcast %slice3A_497 : vector<1x128xf32> to vector<128x128xf32>
    %add3A_500 = arith.addf %add3A_498, %add3A_499 : vector<128x128xf32>
    %slice3A_501 = vector.extract_strided_slice %dot_general3A_5 {offsets = [512, 896], sizes = [128, 128], strides = [1, 1]} : vector<1024x1024xf32> to vector<128x128xf32>
    %sub3A_502 = arith.subf %add3A_500, %slice3A_501 : vector<128x128xf32>
    %lt3A_503 = arith.cmpf olt, %sub3A_502, %select_n3A_493 : vector<128x128xf32>
    %select_n3A_504 = arith.select %lt3A_503, %sub3A_502, %select_n3A_493 : vector<128x128xi1>, vector<128x128xf32>
    %jit3A_505 = arith.constant 7.000000e+00 : f32
    %broadcast_in_dim3A_506 = vector.broadcast %jit3A_505 : f32 to vector<128x128xf32>
    %select_n3A_507 = arith.select %lt3A_503, %broadcast_in_dim3A_506, %select_n3A_496 : vector<128x128xi1>, vector<128x128xf32>
    %mul3A_508 = arith.constant 1.280000e+02 : f32
    %mul3A_509 = vector.broadcast %mul3A_508 : f32 to vector<128x128xf32>
    %mul3A_510 = arith.mulf %select_n3A_507, %mul3A_509 : vector<128x128xf32>
    %add3A_511 = arith.addf %mul3A_510, %convert_element_type3A : vector<128x128xf32>
    %reduce_min3A_512 = arith.constant dense<0x7F800000> : vector<128xf32>
    %reduce_min3A_513 = vector.multi_reduction <minimumf>, %select_n3A_504, %reduce_min3A_512 [1] : vector<128x128xf32> to vector<128xf32>
    %broadcast_in_dim3A_514 = vector.shape_cast %reduce_min3A_513 : vector<128xf32> to vector<128x1xf32>
    %eq3A_515 = vector.broadcast %broadcast_in_dim3A_514 : vector<128x1xf32> to vector<128x128xf32>
    %eq3A_516 = arith.cmpf oeq, %select_n3A_504, %eq3A_515 : vector<128x128xf32>
    %jit3A_517 = arith.constant 1.024000e+03 : f32
    %broadcast_in_dim3A_518 = vector.broadcast %jit3A_517 : f32 to vector<128x128xf32>
    %select_n3A_519 = arith.select %eq3A_516, %add3A_511, %broadcast_in_dim3A_518 : vector<128x128xi1>, vector<128x128xf32>
    %reduce_min3A_520 = arith.constant dense<0x7F800000> : vector<128xf32>
    %reduce_min3A_521 = vector.multi_reduction <minimumf>, %select_n3A_519, %reduce_min3A_520 [1] : vector<128x128xf32> to vector<128xf32>
    %convert_element_type3A_522 = arith.fptosi %reduce_min3A_521 : vector<128xf32> to vector<128xi32>
    %reshape3A_523 = vector.shape_cast %convert_element_type3A_522 : vector<128xi32> to vector<1x128xi32>
    %swap3A_524 = arith.constant 4 : index
    %swap3A_525 = arith.constant 0 : index
    %swap3A_526 = vector.load %arg3[%swap3A_524, %swap3A_525] : memref<8x128xi32, #tpu.memory_space<vmem>>, vector<1x128xi32>
    tpu.vector_store %arg3[%swap3A_524, %swap3A_525], %reshape3A_523 {strides = array<i32>} : memref<8x128xi32, #tpu.memory_space<vmem>>, vector<1x128xi32>,
    %slice3A_527 = vector.extract_strided_slice %broadcast_in_dim3A {offsets = [640, 0], sizes = [128, 1], strides = [1, 1]} : vector<1024x1xf32> to vector<128x1xf32>
    %slice3A_528 = vector.extract_strided_slice %broadcast_in_dim3A_10 {offsets = [0, 0], sizes = [1, 128], strides = [1, 1]} : vector<1x1024xf32> to vector<1x128xf32>
    %add3A_529 = vector.broadcast %slice3A_527 : vector<128x1xf32> to vector<128x128xf32>
    %add3A_530 = vector.broadcast %slice3A_528 : vector<1x128xf32> to vector<128x128xf32>
    %add3A_531 = arith.addf %add3A_529, %add3A_530 : vector<128x128xf32>
    %slice3A_532 = vector.extract_strided_slice %dot_general3A_5 {offsets = [640, 0], sizes = [128, 128], strides = [1, 1]} : vector<1024x1024xf32> to vector<128x128xf32>
    %sub3A_533 = arith.subf %add3A_531, %slice3A_532 : vector<128x128xf32>
    %broadcast_in_dim3A_534 = arith.constant 0.000000e+00 : f32
    %broadcast_in_dim3A_535 = vector.broadcast %broadcast_in_dim3A_534 : f32 to vector<128x128xf32>
    %slice3A_536 = vector.extract_strided_slice %broadcast_in_dim3A_10 {offsets = [0, 128], sizes = [1, 128], strides = [1, 1]} : vector<1x1024xf32> to vector<1x128xf32>
    %add3A_537 = vector.broadcast %slice3A_527 : vector<128x1xf32> to vector<128x128xf32>
    %add3A_538 = vector.broadcast %slice3A_536 : vector<1x128xf32> to vector<128x128xf32>
    %add3A_539 = arith.addf %add3A_537, %add3A_538 : vector<128x128xf32>
    %slice3A_540 = vector.extract_strided_slice %dot_general3A_5 {offsets = [640, 128], sizes = [128, 128], strides = [1, 1]} : vector<1024x1024xf32> to vector<128x128xf32>
    %sub3A_541 = arith.subf %add3A_539, %slice3A_540 : vector<128x128xf32>
    %lt3A_542 = arith.cmpf olt, %sub3A_541, %sub3A_533 : vector<128x128xf32>
    %select_n3A_543 = arith.select %lt3A_542, %sub3A_541, %sub3A_533 : vector<128x128xi1>, vector<128x128xf32>
    %jit3A_544 = arith.constant 1.000000e+00 : f32
    %broadcast_in_dim3A_545 = vector.broadcast %jit3A_544 : f32 to vector<128x128xf32>
    %select_n3A_546 = arith.select %lt3A_542, %broadcast_in_dim3A_545, %broadcast_in_dim3A_535 : vector<128x128xi1>, vector<128x128xf32>
    %slice3A_547 = vector.extract_strided_slice %broadcast_in_dim3A_10 {offsets = [0, 256], sizes = [1, 128], strides = [1, 1]} : vector<1x1024xf32> to vector<1x128xf32>
    %add3A_548 = vector.broadcast %slice3A_527 : vector<128x1xf32> to vector<128x128xf32>
    %add3A_549 = vector.broadcast %slice3A_547 : vector<1x128xf32> to vector<128x128xf32>
    %add3A_550 = arith.addf %add3A_548, %add3A_549 : vector<128x128xf32>
    %slice3A_551 = vector.extract_strided_slice %dot_general3A_5 {offsets = [640, 256], sizes = [128, 128], strides = [1, 1]} : vector<1024x1024xf32> to vector<128x128xf32>
    %sub3A_552 = arith.subf %add3A_550, %slice3A_551 : vector<128x128xf32>
    %lt3A_553 = arith.cmpf olt, %sub3A_552, %select_n3A_543 : vector<128x128xf32>
    %select_n3A_554 = arith.select %lt3A_553, %sub3A_552, %select_n3A_543 : vector<128x128xi1>, vector<128x128xf32>
    %jit3A_555 = arith.constant 2.000000e+00 : f32
    %broadcast_in_dim3A_556 = vector.broadcast %jit3A_555 : f32 to vector<128x128xf32>
    %select_n3A_557 = arith.select %lt3A_553, %broadcast_in_dim3A_556, %select_n3A_546 : vector<128x128xi1>, vector<128x128xf32>
    %slice3A_558 = vector.extract_strided_slice %broadcast_in_dim3A_10 {offsets = [0, 384], sizes = [1, 128], strides = [1, 1]} : vector<1x1024xf32> to vector<1x128xf32>
    %add3A_559 = vector.broadcast %slice3A_527 : vector<128x1xf32> to vector<128x128xf32>
    %add3A_560 = vector.broadcast %slice3A_558 : vector<1x128xf32> to vector<128x128xf32>
    %add3A_561 = arith.addf %add3A_559, %add3A_560 : vector<128x128xf32>
    %slice3A_562 = vector.extract_strided_slice %dot_general3A_5 {offsets = [640, 384], sizes = [128, 128], strides = [1, 1]} : vector<1024x1024xf32> to vector<128x128xf32>
    %sub3A_563 = arith.subf %add3A_561, %slice3A_562 : vector<128x128xf32>
    %lt3A_564 = arith.cmpf olt, %sub3A_563, %select_n3A_554 : vector<128x128xf32>
    %select_n3A_565 = arith.select %lt3A_564, %sub3A_563, %select_n3A_554 : vector<128x128xi1>, vector<128x128xf32>
    %jit3A_566 = arith.constant 3.000000e+00 : f32
    %broadcast_in_dim3A_567 = vector.broadcast %jit3A_566 : f32 to vector<128x128xf32>
    %select_n3A_568 = arith.select %lt3A_564, %broadcast_in_dim3A_567, %select_n3A_557 : vector<128x128xi1>, vector<128x128xf32>
    %slice3A_569 = vector.extract_strided_slice %broadcast_in_dim3A_10 {offsets = [0, 512], sizes = [1, 128], strides = [1, 1]} : vector<1x1024xf32> to vector<1x128xf32>
    %add3A_570 = vector.broadcast %slice3A_527 : vector<128x1xf32> to vector<128x128xf32>
    %add3A_571 = vector.broadcast %slice3A_569 : vector<1x128xf32> to vector<128x128xf32>
    %add3A_572 = arith.addf %add3A_570, %add3A_571 : vector<128x128xf32>
    %slice3A_573 = vector.extract_strided_slice %dot_general3A_5 {offsets = [640, 512], sizes = [128, 128], strides = [1, 1]} : vector<1024x1024xf32> to vector<128x128xf32>
    %sub3A_574 = arith.subf %add3A_572, %slice3A_573 : vector<128x128xf32>
    %lt3A_575 = arith.cmpf olt, %sub3A_574, %select_n3A_565 : vector<128x128xf32>
    %select_n3A_576 = arith.select %lt3A_575, %sub3A_574, %select_n3A_565 : vector<128x128xi1>, vector<128x128xf32>
    %jit3A_577 = arith.constant 4.000000e+00 : f32
    %broadcast_in_dim3A_578 = vector.broadcast %jit3A_577 : f32 to vector<128x128xf32>
    %select_n3A_579 = arith.select %lt3A_575, %broadcast_in_dim3A_578, %select_n3A_568 : vector<128x128xi1>, vector<128x128xf32>
    %slice3A_580 = vector.extract_strided_slice %broadcast_in_dim3A_10 {offsets = [0, 640], sizes = [1, 128], strides = [1, 1]} : vector<1x1024xf32> to vector<1x128xf32>
    %add3A_581 = vector.broadcast %slice3A_527 : vector<128x1xf32> to vector<128x128xf32>
    %add3A_582 = vector.broadcast %slice3A_580 : vector<1x128xf32> to vector<128x128xf32>
    %add3A_583 = arith.addf %add3A_581, %add3A_582 : vector<128x128xf32>
    %slice3A_584 = vector.extract_strided_slice %dot_general3A_5 {offsets = [640, 640], sizes = [128, 128], strides = [1, 1]} : vector<1024x1024xf32> to vector<128x128xf32>
    %sub3A_585 = arith.subf %add3A_583, %slice3A_584 : vector<128x128xf32>
    %lt3A_586 = arith.cmpf olt, %sub3A_585, %select_n3A_576 : vector<128x128xf32>
    %select_n3A_587 = arith.select %lt3A_586, %sub3A_585, %select_n3A_576 : vector<128x128xi1>, vector<128x128xf32>
    %jit3A_588 = arith.constant 5.000000e+00 : f32
    %broadcast_in_dim3A_589 = vector.broadcast %jit3A_588 : f32 to vector<128x128xf32>
    %select_n3A_590 = arith.select %lt3A_586, %broadcast_in_dim3A_589, %select_n3A_579 : vector<128x128xi1>, vector<128x128xf32>
    %slice3A_591 = vector.extract_strided_slice %broadcast_in_dim3A_10 {offsets = [0, 768], sizes = [1, 128], strides = [1, 1]} : vector<1x1024xf32> to vector<1x128xf32>
    %add3A_592 = vector.broadcast %slice3A_527 : vector<128x1xf32> to vector<128x128xf32>
    %add3A_593 = vector.broadcast %slice3A_591 : vector<1x128xf32> to vector<128x128xf32>
    %add3A_594 = arith.addf %add3A_592, %add3A_593 : vector<128x128xf32>
    %slice3A_595 = vector.extract_strided_slice %dot_general3A_5 {offsets = [640, 768], sizes = [128, 128], strides = [1, 1]} : vector<1024x1024xf32> to vector<128x128xf32>
    %sub3A_596 = arith.subf %add3A_594, %slice3A_595 : vector<128x128xf32>
    %lt3A_597 = arith.cmpf olt, %sub3A_596, %select_n3A_587 : vector<128x128xf32>
    %select_n3A_598 = arith.select %lt3A_597, %sub3A_596, %select_n3A_587 : vector<128x128xi1>, vector<128x128xf32>
    %jit3A_599 = arith.constant 6.000000e+00 : f32
    %broadcast_in_dim3A_600 = vector.broadcast %jit3A_599 : f32 to vector<128x128xf32>
    %select_n3A_601 = arith.select %lt3A_597, %broadcast_in_dim3A_600, %select_n3A_590 : vector<128x128xi1>, vector<128x128xf32>
    %slice3A_602 = vector.extract_strided_slice %broadcast_in_dim3A_10 {offsets = [0, 896], sizes = [1, 128], strides = [1, 1]} : vector<1x1024xf32> to vector<1x128xf32>
    %add3A_603 = vector.broadcast %slice3A_527 : vector<128x1xf32> to vector<128x128xf32>
    %add3A_604 = vector.broadcast %slice3A_602 : vector<1x128xf32> to vector<128x128xf32>
    %add3A_605 = arith.addf %add3A_603, %add3A_604 : vector<128x128xf32>
    %slice3A_606 = vector.extract_strided_slice %dot_general3A_5 {offsets = [640, 896], sizes = [128, 128], strides = [1, 1]} : vector<1024x1024xf32> to vector<128x128xf32>
    %sub3A_607 = arith.subf %add3A_605, %slice3A_606 : vector<128x128xf32>
    %lt3A_608 = arith.cmpf olt, %sub3A_607, %select_n3A_598 : vector<128x128xf32>
    %select_n3A_609 = arith.select %lt3A_608, %sub3A_607, %select_n3A_598 : vector<128x128xi1>, vector<128x128xf32>
    %jit3A_610 = arith.constant 7.000000e+00 : f32
    %broadcast_in_dim3A_611 = vector.broadcast %jit3A_610 : f32 to vector<128x128xf32>
    %select_n3A_612 = arith.select %lt3A_608, %broadcast_in_dim3A_611, %select_n3A_601 : vector<128x128xi1>, vector<128x128xf32>
    %mul3A_613 = arith.constant 1.280000e+02 : f32
    %mul3A_614 = vector.broadcast %mul3A_613 : f32 to vector<128x128xf32>
    %mul3A_615 = arith.mulf %select_n3A_612, %mul3A_614 : vector<128x128xf32>
    %add3A_616 = arith.addf %mul3A_615, %convert_element_type3A : vector<128x128xf32>
    %reduce_min3A_617 = arith.constant dense<0x7F800000> : vector<128xf32>
    %reduce_min3A_618 = vector.multi_reduction <minimumf>, %select_n3A_609, %reduce_min3A_617 [1] : vector<128x128xf32> to vector<128xf32>
    %broadcast_in_dim3A_619 = vector.shape_cast %reduce_min3A_618 : vector<128xf32> to vector<128x1xf32>
    %eq3A_620 = vector.broadcast %broadcast_in_dim3A_619 : vector<128x1xf32> to vector<128x128xf32>
    %eq3A_621 = arith.cmpf oeq, %select_n3A_609, %eq3A_620 : vector<128x128xf32>
    %jit3A_622 = arith.constant 1.024000e+03 : f32
    %broadcast_in_dim3A_623 = vector.broadcast %jit3A_622 : f32 to vector<128x128xf32>
    %select_n3A_624 = arith.select %eq3A_621, %add3A_616, %broadcast_in_dim3A_623 : vector<128x128xi1>, vector<128x128xf32>
    %reduce_min3A_625 = arith.constant dense<0x7F800000> : vector<128xf32>
    %reduce_min3A_626 = vector.multi_reduction <minimumf>, %select_n3A_624, %reduce_min3A_625 [1] : vector<128x128xf32> to vector<128xf32>
    %convert_element_type3A_627 = arith.fptosi %reduce_min3A_626 : vector<128xf32> to vector<128xi32>
    %reshape3A_628 = vector.shape_cast %convert_element_type3A_627 : vector<128xi32> to vector<1x128xi32>
    %swap3A_629 = arith.constant 5 : index
    %swap3A_630 = arith.constant 0 : index
    %swap3A_631 = vector.load %arg3[%swap3A_629, %swap3A_630] : memref<8x128xi32, #tpu.memory_space<vmem>>, vector<1x128xi32>
    tpu.vector_store %arg3[%swap3A_629, %swap3A_630], %reshape3A_628 {strides = array<i32>} : memref<8x128xi32, #tpu.memory_space<vmem>>, vector<1x128xi32>,
    %slice3A_632 = vector.extract_strided_slice %broadcast_in_dim3A {offsets = [768, 0], sizes = [128, 1], strides = [1, 1]} : vector<1024x1xf32> to vector<128x1xf32>
    %slice3A_633 = vector.extract_strided_slice %broadcast_in_dim3A_10 {offsets = [0, 0], sizes = [1, 128], strides = [1, 1]} : vector<1x1024xf32> to vector<1x128xf32>
    %add3A_634 = vector.broadcast %slice3A_632 : vector<128x1xf32> to vector<128x128xf32>
    %add3A_635 = vector.broadcast %slice3A_633 : vector<1x128xf32> to vector<128x128xf32>
    %add3A_636 = arith.addf %add3A_634, %add3A_635 : vector<128x128xf32>
    %slice3A_637 = vector.extract_strided_slice %dot_general3A_5 {offsets = [768, 0], sizes = [128, 128], strides = [1, 1]} : vector<1024x1024xf32> to vector<128x128xf32>
    %sub3A_638 = arith.subf %add3A_636, %slice3A_637 : vector<128x128xf32>
    %broadcast_in_dim3A_639 = arith.constant 0.000000e+00 : f32
    %broadcast_in_dim3A_640 = vector.broadcast %broadcast_in_dim3A_639 : f32 to vector<128x128xf32>
    %slice3A_641 = vector.extract_strided_slice %broadcast_in_dim3A_10 {offsets = [0, 128], sizes = [1, 128], strides = [1, 1]} : vector<1x1024xf32> to vector<1x128xf32>
    %add3A_642 = vector.broadcast %slice3A_632 : vector<128x1xf32> to vector<128x128xf32>
    %add3A_643 = vector.broadcast %slice3A_641 : vector<1x128xf32> to vector<128x128xf32>
    %add3A_644 = arith.addf %add3A_642, %add3A_643 : vector<128x128xf32>
    %slice3A_645 = vector.extract_strided_slice %dot_general3A_5 {offsets = [768, 128], sizes = [128, 128], strides = [1, 1]} : vector<1024x1024xf32> to vector<128x128xf32>
    %sub3A_646 = arith.subf %add3A_644, %slice3A_645 : vector<128x128xf32>
    %lt3A_647 = arith.cmpf olt, %sub3A_646, %sub3A_638 : vector<128x128xf32>
    %select_n3A_648 = arith.select %lt3A_647, %sub3A_646, %sub3A_638 : vector<128x128xi1>, vector<128x128xf32>
    %jit3A_649 = arith.constant 1.000000e+00 : f32
    %broadcast_in_dim3A_650 = vector.broadcast %jit3A_649 : f32 to vector<128x128xf32>
    %select_n3A_651 = arith.select %lt3A_647, %broadcast_in_dim3A_650, %broadcast_in_dim3A_640 : vector<128x128xi1>, vector<128x128xf32>
    %slice3A_652 = vector.extract_strided_slice %broadcast_in_dim3A_10 {offsets = [0, 256], sizes = [1, 128], strides = [1, 1]} : vector<1x1024xf32> to vector<1x128xf32>
    %add3A_653 = vector.broadcast %slice3A_632 : vector<128x1xf32> to vector<128x128xf32>
    %add3A_654 = vector.broadcast %slice3A_652 : vector<1x128xf32> to vector<128x128xf32>
    %add3A_655 = arith.addf %add3A_653, %add3A_654 : vector<128x128xf32>
    %slice3A_656 = vector.extract_strided_slice %dot_general3A_5 {offsets = [768, 256], sizes = [128, 128], strides = [1, 1]} : vector<1024x1024xf32> to vector<128x128xf32>
    %sub3A_657 = arith.subf %add3A_655, %slice3A_656 : vector<128x128xf32>
    %lt3A_658 = arith.cmpf olt, %sub3A_657, %select_n3A_648 : vector<128x128xf32>
    %select_n3A_659 = arith.select %lt3A_658, %sub3A_657, %select_n3A_648 : vector<128x128xi1>, vector<128x128xf32>
    %jit3A_660 = arith.constant 2.000000e+00 : f32
    %broadcast_in_dim3A_661 = vector.broadcast %jit3A_660 : f32 to vector<128x128xf32>
    %select_n3A_662 = arith.select %lt3A_658, %broadcast_in_dim3A_661, %select_n3A_651 : vector<128x128xi1>, vector<128x128xf32>
    %slice3A_663 = vector.extract_strided_slice %broadcast_in_dim3A_10 {offsets = [0, 384], sizes = [1, 128], strides = [1, 1]} : vector<1x1024xf32> to vector<1x128xf32>
    %add3A_664 = vector.broadcast %slice3A_632 : vector<128x1xf32> to vector<128x128xf32>
    %add3A_665 = vector.broadcast %slice3A_663 : vector<1x128xf32> to vector<128x128xf32>
    %add3A_666 = arith.addf %add3A_664, %add3A_665 : vector<128x128xf32>
    %slice3A_667 = vector.extract_strided_slice %dot_general3A_5 {offsets = [768, 384], sizes = [128, 128], strides = [1, 1]} : vector<1024x1024xf32> to vector<128x128xf32>
    %sub3A_668 = arith.subf %add3A_666, %slice3A_667 : vector<128x128xf32>
    %lt3A_669 = arith.cmpf olt, %sub3A_668, %select_n3A_659 : vector<128x128xf32>
    %select_n3A_670 = arith.select %lt3A_669, %sub3A_668, %select_n3A_659 : vector<128x128xi1>, vector<128x128xf32>
    %jit3A_671 = arith.constant 3.000000e+00 : f32
    %broadcast_in_dim3A_672 = vector.broadcast %jit3A_671 : f32 to vector<128x128xf32>
    %select_n3A_673 = arith.select %lt3A_669, %broadcast_in_dim3A_672, %select_n3A_662 : vector<128x128xi1>, vector<128x128xf32>
    %slice3A_674 = vector.extract_strided_slice %broadcast_in_dim3A_10 {offsets = [0, 512], sizes = [1, 128], strides = [1, 1]} : vector<1x1024xf32> to vector<1x128xf32>
    %add3A_675 = vector.broadcast %slice3A_632 : vector<128x1xf32> to vector<128x128xf32>
    %add3A_676 = vector.broadcast %slice3A_674 : vector<1x128xf32> to vector<128x128xf32>
    %add3A_677 = arith.addf %add3A_675, %add3A_676 : vector<128x128xf32>
    %slice3A_678 = vector.extract_strided_slice %dot_general3A_5 {offsets = [768, 512], sizes = [128, 128], strides = [1, 1]} : vector<1024x1024xf32> to vector<128x128xf32>
    %sub3A_679 = arith.subf %add3A_677, %slice3A_678 : vector<128x128xf32>
    %lt3A_680 = arith.cmpf olt, %sub3A_679, %select_n3A_670 : vector<128x128xf32>
    %select_n3A_681 = arith.select %lt3A_680, %sub3A_679, %select_n3A_670 : vector<128x128xi1>, vector<128x128xf32>
    %jit3A_682 = arith.constant 4.000000e+00 : f32
    %broadcast_in_dim3A_683 = vector.broadcast %jit3A_682 : f32 to vector<128x128xf32>
    %select_n3A_684 = arith.select %lt3A_680, %broadcast_in_dim3A_683, %select_n3A_673 : vector<128x128xi1>, vector<128x128xf32>
    %slice3A_685 = vector.extract_strided_slice %broadcast_in_dim3A_10 {offsets = [0, 640], sizes = [1, 128], strides = [1, 1]} : vector<1x1024xf32> to vector<1x128xf32>
    %add3A_686 = vector.broadcast %slice3A_632 : vector<128x1xf32> to vector<128x128xf32>
    %add3A_687 = vector.broadcast %slice3A_685 : vector<1x128xf32> to vector<128x128xf32>
    %add3A_688 = arith.addf %add3A_686, %add3A_687 : vector<128x128xf32>
    %slice3A_689 = vector.extract_strided_slice %dot_general3A_5 {offsets = [768, 640], sizes = [128, 128], strides = [1, 1]} : vector<1024x1024xf32> to vector<128x128xf32>
    %sub3A_690 = arith.subf %add3A_688, %slice3A_689 : vector<128x128xf32>
    %lt3A_691 = arith.cmpf olt, %sub3A_690, %select_n3A_681 : vector<128x128xf32>
    %select_n3A_692 = arith.select %lt3A_691, %sub3A_690, %select_n3A_681 : vector<128x128xi1>, vector<128x128xf32>
    %jit3A_693 = arith.constant 5.000000e+00 : f32
    %broadcast_in_dim3A_694 = vector.broadcast %jit3A_693 : f32 to vector<128x128xf32>
    %select_n3A_695 = arith.select %lt3A_691, %broadcast_in_dim3A_694, %select_n3A_684 : vector<128x128xi1>, vector<128x128xf32>
    %slice3A_696 = vector.extract_strided_slice %broadcast_in_dim3A_10 {offsets = [0, 768], sizes = [1, 128], strides = [1, 1]} : vector<1x1024xf32> to vector<1x128xf32>
    %add3A_697 = vector.broadcast %slice3A_632 : vector<128x1xf32> to vector<128x128xf32>
    %add3A_698 = vector.broadcast %slice3A_696 : vector<1x128xf32> to vector<128x128xf32>
    %add3A_699 = arith.addf %add3A_697, %add3A_698 : vector<128x128xf32>
    %slice3A_700 = vector.extract_strided_slice %dot_general3A_5 {offsets = [768, 768], sizes = [128, 128], strides = [1, 1]} : vector<1024x1024xf32> to vector<128x128xf32>
    %sub3A_701 = arith.subf %add3A_699, %slice3A_700 : vector<128x128xf32>
    %lt3A_702 = arith.cmpf olt, %sub3A_701, %select_n3A_692 : vector<128x128xf32>
    %select_n3A_703 = arith.select %lt3A_702, %sub3A_701, %select_n3A_692 : vector<128x128xi1>, vector<128x128xf32>
    %jit3A_704 = arith.constant 6.000000e+00 : f32
    %broadcast_in_dim3A_705 = vector.broadcast %jit3A_704 : f32 to vector<128x128xf32>
    %select_n3A_706 = arith.select %lt3A_702, %broadcast_in_dim3A_705, %select_n3A_695 : vector<128x128xi1>, vector<128x128xf32>
    %slice3A_707 = vector.extract_strided_slice %broadcast_in_dim3A_10 {offsets = [0, 896], sizes = [1, 128], strides = [1, 1]} : vector<1x1024xf32> to vector<1x128xf32>
    %add3A_708 = vector.broadcast %slice3A_632 : vector<128x1xf32> to vector<128x128xf32>
    %add3A_709 = vector.broadcast %slice3A_707 : vector<1x128xf32> to vector<128x128xf32>
    %add3A_710 = arith.addf %add3A_708, %add3A_709 : vector<128x128xf32>
    %slice3A_711 = vector.extract_strided_slice %dot_general3A_5 {offsets = [768, 896], sizes = [128, 128], strides = [1, 1]} : vector<1024x1024xf32> to vector<128x128xf32>
    %sub3A_712 = arith.subf %add3A_710, %slice3A_711 : vector<128x128xf32>
    %lt3A_713 = arith.cmpf olt, %sub3A_712, %select_n3A_703 : vector<128x128xf32>
    %select_n3A_714 = arith.select %lt3A_713, %sub3A_712, %select_n3A_703 : vector<128x128xi1>, vector<128x128xf32>
    %jit3A_715 = arith.constant 7.000000e+00 : f32
    %broadcast_in_dim3A_716 = vector.broadcast %jit3A_715 : f32 to vector<128x128xf32>
    %select_n3A_717 = arith.select %lt3A_713, %broadcast_in_dim3A_716, %select_n3A_706 : vector<128x128xi1>, vector<128x128xf32>
    %mul3A_718 = arith.constant 1.280000e+02 : f32
    %mul3A_719 = vector.broadcast %mul3A_718 : f32 to vector<128x128xf32>
    %mul3A_720 = arith.mulf %select_n3A_717, %mul3A_719 : vector<128x128xf32>
    %add3A_721 = arith.addf %mul3A_720, %convert_element_type3A : vector<128x128xf32>
    %reduce_min3A_722 = arith.constant dense<0x7F800000> : vector<128xf32>
    %reduce_min3A_723 = vector.multi_reduction <minimumf>, %select_n3A_714, %reduce_min3A_722 [1] : vector<128x128xf32> to vector<128xf32>
    %broadcast_in_dim3A_724 = vector.shape_cast %reduce_min3A_723 : vector<128xf32> to vector<128x1xf32>
    %eq3A_725 = vector.broadcast %broadcast_in_dim3A_724 : vector<128x1xf32> to vector<128x128xf32>
    %eq3A_726 = arith.cmpf oeq, %select_n3A_714, %eq3A_725 : vector<128x128xf32>
    %jit3A_727 = arith.constant 1.024000e+03 : f32
    %broadcast_in_dim3A_728 = vector.broadcast %jit3A_727 : f32 to vector<128x128xf32>
    %select_n3A_729 = arith.select %eq3A_726, %add3A_721, %broadcast_in_dim3A_728 : vector<128x128xi1>, vector<128x128xf32>
    %reduce_min3A_730 = arith.constant dense<0x7F800000> : vector<128xf32>
    %reduce_min3A_731 = vector.multi_reduction <minimumf>, %select_n3A_729, %reduce_min3A_730 [1] : vector<128x128xf32> to vector<128xf32>
    %convert_element_type3A_732 = arith.fptosi %reduce_min3A_731 : vector<128xf32> to vector<128xi32>
    %reshape3A_733 = vector.shape_cast %convert_element_type3A_732 : vector<128xi32> to vector<1x128xi32>
    %swap3A_734 = arith.constant 6 : index
    %swap3A_735 = arith.constant 0 : index
    %swap3A_736 = vector.load %arg3[%swap3A_734, %swap3A_735] : memref<8x128xi32, #tpu.memory_space<vmem>>, vector<1x128xi32>
    tpu.vector_store %arg3[%swap3A_734, %swap3A_735], %reshape3A_733 {strides = array<i32>} : memref<8x128xi32, #tpu.memory_space<vmem>>, vector<1x128xi32>,
    %slice3A_737 = vector.extract_strided_slice %broadcast_in_dim3A {offsets = [896, 0], sizes = [128, 1], strides = [1, 1]} : vector<1024x1xf32> to vector<128x1xf32>
    %slice3A_738 = vector.extract_strided_slice %broadcast_in_dim3A_10 {offsets = [0, 0], sizes = [1, 128], strides = [1, 1]} : vector<1x1024xf32> to vector<1x128xf32>
    %add3A_739 = vector.broadcast %slice3A_737 : vector<128x1xf32> to vector<128x128xf32>
    %add3A_740 = vector.broadcast %slice3A_738 : vector<1x128xf32> to vector<128x128xf32>
    %add3A_741 = arith.addf %add3A_739, %add3A_740 : vector<128x128xf32>
    %slice3A_742 = vector.extract_strided_slice %dot_general3A_5 {offsets = [896, 0], sizes = [128, 128], strides = [1, 1]} : vector<1024x1024xf32> to vector<128x128xf32>
    %sub3A_743 = arith.subf %add3A_741, %slice3A_742 : vector<128x128xf32>
    %broadcast_in_dim3A_744 = arith.constant 0.000000e+00 : f32
    %broadcast_in_dim3A_745 = vector.broadcast %broadcast_in_dim3A_744 : f32 to vector<128x128xf32>
    %slice3A_746 = vector.extract_strided_slice %broadcast_in_dim3A_10 {offsets = [0, 128], sizes = [1, 128], strides = [1, 1]} : vector<1x1024xf32> to vector<1x128xf32>
    %add3A_747 = vector.broadcast %slice3A_737 : vector<128x1xf32> to vector<128x128xf32>
    %add3A_748 = vector.broadcast %slice3A_746 : vector<1x128xf32> to vector<128x128xf32>
    %add3A_749 = arith.addf %add3A_747, %add3A_748 : vector<128x128xf32>
    %slice3A_750 = vector.extract_strided_slice %dot_general3A_5 {offsets = [896, 128], sizes = [128, 128], strides = [1, 1]} : vector<1024x1024xf32> to vector<128x128xf32>
    %sub3A_751 = arith.subf %add3A_749, %slice3A_750 : vector<128x128xf32>
    %lt3A_752 = arith.cmpf olt, %sub3A_751, %sub3A_743 : vector<128x128xf32>
    %select_n3A_753 = arith.select %lt3A_752, %sub3A_751, %sub3A_743 : vector<128x128xi1>, vector<128x128xf32>
    %jit3A_754 = arith.constant 1.000000e+00 : f32
    %broadcast_in_dim3A_755 = vector.broadcast %jit3A_754 : f32 to vector<128x128xf32>
    %select_n3A_756 = arith.select %lt3A_752, %broadcast_in_dim3A_755, %broadcast_in_dim3A_745 : vector<128x128xi1>, vector<128x128xf32>
    %slice3A_757 = vector.extract_strided_slice %broadcast_in_dim3A_10 {offsets = [0, 256], sizes = [1, 128], strides = [1, 1]} : vector<1x1024xf32> to vector<1x128xf32>
    %add3A_758 = vector.broadcast %slice3A_737 : vector<128x1xf32> to vector<128x128xf32>
    %add3A_759 = vector.broadcast %slice3A_757 : vector<1x128xf32> to vector<128x128xf32>
    %add3A_760 = arith.addf %add3A_758, %add3A_759 : vector<128x128xf32>
    %slice3A_761 = vector.extract_strided_slice %dot_general3A_5 {offsets = [896, 256], sizes = [128, 128], strides = [1, 1]} : vector<1024x1024xf32> to vector<128x128xf32>
    %sub3A_762 = arith.subf %add3A_760, %slice3A_761 : vector<128x128xf32>
    %lt3A_763 = arith.cmpf olt, %sub3A_762, %select_n3A_753 : vector<128x128xf32>
    %select_n3A_764 = arith.select %lt3A_763, %sub3A_762, %select_n3A_753 : vector<128x128xi1>, vector<128x128xf32>
    %jit3A_765 = arith.constant 2.000000e+00 : f32
    %broadcast_in_dim3A_766 = vector.broadcast %jit3A_765 : f32 to vector<128x128xf32>
    %select_n3A_767 = arith.select %lt3A_763, %broadcast_in_dim3A_766, %select_n3A_756 : vector<128x128xi1>, vector<128x128xf32>
    %slice3A_768 = vector.extract_strided_slice %broadcast_in_dim3A_10 {offsets = [0, 384], sizes = [1, 128], strides = [1, 1]} : vector<1x1024xf32> to vector<1x128xf32>
    %add3A_769 = vector.broadcast %slice3A_737 : vector<128x1xf32> to vector<128x128xf32>
    %add3A_770 = vector.broadcast %slice3A_768 : vector<1x128xf32> to vector<128x128xf32>
    %add3A_771 = arith.addf %add3A_769, %add3A_770 : vector<128x128xf32>
    %slice3A_772 = vector.extract_strided_slice %dot_general3A_5 {offsets = [896, 384], sizes = [128, 128], strides = [1, 1]} : vector<1024x1024xf32> to vector<128x128xf32>
    %sub3A_773 = arith.subf %add3A_771, %slice3A_772 : vector<128x128xf32>
    %lt3A_774 = arith.cmpf olt, %sub3A_773, %select_n3A_764 : vector<128x128xf32>
    %select_n3A_775 = arith.select %lt3A_774, %sub3A_773, %select_n3A_764 : vector<128x128xi1>, vector<128x128xf32>
    %jit3A_776 = arith.constant 3.000000e+00 : f32
    %broadcast_in_dim3A_777 = vector.broadcast %jit3A_776 : f32 to vector<128x128xf32>
    %select_n3A_778 = arith.select %lt3A_774, %broadcast_in_dim3A_777, %select_n3A_767 : vector<128x128xi1>, vector<128x128xf32>
    %slice3A_779 = vector.extract_strided_slice %broadcast_in_dim3A_10 {offsets = [0, 512], sizes = [1, 128], strides = [1, 1]} : vector<1x1024xf32> to vector<1x128xf32>
    %add3A_780 = vector.broadcast %slice3A_737 : vector<128x1xf32> to vector<128x128xf32>
    %add3A_781 = vector.broadcast %slice3A_779 : vector<1x128xf32> to vector<128x128xf32>
    %add3A_782 = arith.addf %add3A_780, %add3A_781 : vector<128x128xf32>
    %slice3A_783 = vector.extract_strided_slice %dot_general3A_5 {offsets = [896, 512], sizes = [128, 128], strides = [1, 1]} : vector<1024x1024xf32> to vector<128x128xf32>
    %sub3A_784 = arith.subf %add3A_782, %slice3A_783 : vector<128x128xf32>
    %lt3A_785 = arith.cmpf olt, %sub3A_784, %select_n3A_775 : vector<128x128xf32>
    %select_n3A_786 = arith.select %lt3A_785, %sub3A_784, %select_n3A_775 : vector<128x128xi1>, vector<128x128xf32>
    %jit3A_787 = arith.constant 4.000000e+00 : f32
    %broadcast_in_dim3A_788 = vector.broadcast %jit3A_787 : f32 to vector<128x128xf32>
    %select_n3A_789 = arith.select %lt3A_785, %broadcast_in_dim3A_788, %select_n3A_778 : vector<128x128xi1>, vector<128x128xf32>
    %slice3A_790 = vector.extract_strided_slice %broadcast_in_dim3A_10 {offsets = [0, 640], sizes = [1, 128], strides = [1, 1]} : vector<1x1024xf32> to vector<1x128xf32>
    %add3A_791 = vector.broadcast %slice3A_737 : vector<128x1xf32> to vector<128x128xf32>
    %add3A_792 = vector.broadcast %slice3A_790 : vector<1x128xf32> to vector<128x128xf32>
    %add3A_793 = arith.addf %add3A_791, %add3A_792 : vector<128x128xf32>
    %slice3A_794 = vector.extract_strided_slice %dot_general3A_5 {offsets = [896, 640], sizes = [128, 128], strides = [1, 1]} : vector<1024x1024xf32> to vector<128x128xf32>
    %sub3A_795 = arith.subf %add3A_793, %slice3A_794 : vector<128x128xf32>
    %lt3A_796 = arith.cmpf olt, %sub3A_795, %select_n3A_786 : vector<128x128xf32>
    %select_n3A_797 = arith.select %lt3A_796, %sub3A_795, %select_n3A_786 : vector<128x128xi1>, vector<128x128xf32>
    %jit3A_798 = arith.constant 5.000000e+00 : f32
    %broadcast_in_dim3A_799 = vector.broadcast %jit3A_798 : f32 to vector<128x128xf32>
    %select_n3A_800 = arith.select %lt3A_796, %broadcast_in_dim3A_799, %select_n3A_789 : vector<128x128xi1>, vector<128x128xf32>
    %slice3A_801 = vector.extract_strided_slice %broadcast_in_dim3A_10 {offsets = [0, 768], sizes = [1, 128], strides = [1, 1]} : vector<1x1024xf32> to vector<1x128xf32>
    %add3A_802 = vector.broadcast %slice3A_737 : vector<128x1xf32> to vector<128x128xf32>
    %add3A_803 = vector.broadcast %slice3A_801 : vector<1x128xf32> to vector<128x128xf32>
    %add3A_804 = arith.addf %add3A_802, %add3A_803 : vector<128x128xf32>
    %slice3A_805 = vector.extract_strided_slice %dot_general3A_5 {offsets = [896, 768], sizes = [128, 128], strides = [1, 1]} : vector<1024x1024xf32> to vector<128x128xf32>
    %sub3A_806 = arith.subf %add3A_804, %slice3A_805 : vector<128x128xf32>
    %lt3A_807 = arith.cmpf olt, %sub3A_806, %select_n3A_797 : vector<128x128xf32>
    %select_n3A_808 = arith.select %lt3A_807, %sub3A_806, %select_n3A_797 : vector<128x128xi1>, vector<128x128xf32>
    %jit3A_809 = arith.constant 6.000000e+00 : f32
    %broadcast_in_dim3A_810 = vector.broadcast %jit3A_809 : f32 to vector<128x128xf32>
    %select_n3A_811 = arith.select %lt3A_807, %broadcast_in_dim3A_810, %select_n3A_800 : vector<128x128xi1>, vector<128x128xf32>
    %slice3A_812 = vector.extract_strided_slice %broadcast_in_dim3A_10 {offsets = [0, 896], sizes = [1, 128], strides = [1, 1]} : vector<1x1024xf32> to vector<1x128xf32>
    %add3A_813 = vector.broadcast %slice3A_737 : vector<128x1xf32> to vector<128x128xf32>
    %add3A_814 = vector.broadcast %slice3A_812 : vector<1x128xf32> to vector<128x128xf32>
    %add3A_815 = arith.addf %add3A_813, %add3A_814 : vector<128x128xf32>
    %slice3A_816 = vector.extract_strided_slice %dot_general3A_5 {offsets = [896, 896], sizes = [128, 128], strides = [1, 1]} : vector<1024x1024xf32> to vector<128x128xf32>
    %sub3A_817 = arith.subf %add3A_815, %slice3A_816 : vector<128x128xf32>
    %lt3A_818 = arith.cmpf olt, %sub3A_817, %select_n3A_808 : vector<128x128xf32>
    %select_n3A_819 = arith.select %lt3A_818, %sub3A_817, %select_n3A_808 : vector<128x128xi1>, vector<128x128xf32>
    %jit3A_820 = arith.constant 7.000000e+00 : f32
    %broadcast_in_dim3A_821 = vector.broadcast %jit3A_820 : f32 to vector<128x128xf32>
    %select_n3A_822 = arith.select %lt3A_818, %broadcast_in_dim3A_821, %select_n3A_811 : vector<128x128xi1>, vector<128x128xf32>
    %mul3A_823 = arith.constant 1.280000e+02 : f32
    %mul3A_824 = vector.broadcast %mul3A_823 : f32 to vector<128x128xf32>
    %mul3A_825 = arith.mulf %select_n3A_822, %mul3A_824 : vector<128x128xf32>
    %add3A_826 = arith.addf %mul3A_825, %convert_element_type3A : vector<128x128xf32>
    %reduce_min3A_827 = arith.constant dense<0x7F800000> : vector<128xf32>
    %reduce_min3A_828 = vector.multi_reduction <minimumf>, %select_n3A_819, %reduce_min3A_827 [1] : vector<128x128xf32> to vector<128xf32>
    %broadcast_in_dim3A_829 = vector.shape_cast %reduce_min3A_828 : vector<128xf32> to vector<128x1xf32>
    %eq3A_830 = vector.broadcast %broadcast_in_dim3A_829 : vector<128x1xf32> to vector<128x128xf32>
    %eq3A_831 = arith.cmpf oeq, %select_n3A_819, %eq3A_830 : vector<128x128xf32>
    %jit3A_832 = arith.constant 1.024000e+03 : f32
    %broadcast_in_dim3A_833 = vector.broadcast %jit3A_832 : f32 to vector<128x128xf32>
    %select_n3A_834 = arith.select %eq3A_831, %add3A_826, %broadcast_in_dim3A_833 : vector<128x128xi1>, vector<128x128xf32>
    %reduce_min3A_835 = arith.constant dense<0x7F800000> : vector<128xf32>
    %reduce_min3A_836 = vector.multi_reduction <minimumf>, %select_n3A_834, %reduce_min3A_835 [1] : vector<128x128xf32> to vector<128xf32>
    %convert_element_type3A_837 = arith.fptosi %reduce_min3A_836 : vector<128xf32> to vector<128xi32>
    %reshape3A_838 = vector.shape_cast %convert_element_type3A_837 : vector<128xi32> to vector<1x128xi32>
    %swap3A_839 = arith.constant 7 : index
    %swap3A_840 = arith.constant 0 : index
    %swap3A_841 = vector.load %arg3[%swap3A_839, %swap3A_840] : memref<8x128xi32, #tpu.memory_space<vmem>>, vector<1x128xi32>
    tpu.vector_store %arg3[%swap3A_839, %swap3A_840], %reshape3A_838 {strides = array<i32>} : memref<8x128xi32, #tpu.memory_space<vmem>>, vector<1x128xi32>,
    return
  }
  func.func @transform_0(%arg0: i32) -> (i32, i32) {
    %c0_i32 = arith.constant 0 : i32
    %c0_i32_0 = arith.constant 0 : i32
    return %arg0, %c0_i32 : i32, i32
  }
  func.func @transform_1(%arg0: i32) -> (i32, i32) {
    %c0_i32 = arith.constant 0 : i32
    %c0_i32_0 = arith.constant 0 : i32
    %c0_i32_1 = arith.constant 0 : i32
    return %c0_i32, %c0_i32_0 : i32, i32
  }
  func.func @transform_2(%arg0: i32) -> (i32, i32) {
    %c0_i32 = arith.constant 0 : i32
    %c0_i32_0 = arith.constant 0 : i32
    return %arg0, %c0_i32 : i32, i32
  }
}

</mosaic_0001>

<sc_bundles>
// kernel: kernel.4.cloned.1.call-start
scs
__scs_entry_jumppad:
0x0: {  	(pc) =	sbr.rel $0x88, $3  }
0x1: {  	(tag) =	ssettag $0x0;
	lr =	simm.s32 $0x1  }
0x2: {  	[smem:$0x3F9F] =	sst lr;
	_ =	strace $0xD0000000  }
0x3: {  	_ = 	snop  }
0x4: {  	_ = 	snop  }
0x5: {  	_ = 	snop  }
0x6: {  	_ = 	snop  }
0x7: {  	_ = 	snop  }
__scs_overlays_trampoline_lowered:
0x8: {  	[smem:$0x3FAE] =	sst s0  }
0x9: {  	[smem:$0x3FAF] =	sst s1  }
0xa: {  	[smem:$0x3FB0] =	sst s2  }
0xb: {  	[smem:$0x3FB1] =	sst s3  }
0xc: {  	[smem:$0x3FB2] =	sst s4  }
0xd: {  	[smem:$0x3FB3] =	sst s5  }
0xe: {  	[smem:$0x3FB4] =	sst s6  }
0xf: {  	[smem:$0x3FB5] =	sst s7  }
0x10: {  	[smem:$0x3FB6] =	sst s8  }
0x11: {  	[smem:$0x3FB7] =	sst s9;
	s0 =	simm.s32 @!p0 $0x0  }
0x12: {  	s1 =	sld [smem:$0x3F9D];
	s0 =	simm.s32 @p0 $0x1  }
0x13: {  	[smem:$0x3FB8] =	sst s0;
	s0 =	simm.s32 @!p1 $0x0  }
0x14: {  	s2 =	sld [smem:$0x3F9C];
	s0 =	simm.s32 @p1 $0x1  }
0x15: {  	[smem:$0x3FB9] =	sst s0;
	s0 =	simm.s32 @!p2 $0x0  }
0x16: {  	s3 =	sld [smem:$0x3FDB];
	s0 =	simm.s32 @p2 $0x1  }
0x17: {  	s4 =	simm.s32 $0x1BF5;
	[smem:$0x3FBB] =	sst s0  }
0x18: {  	s0 =	sld [smem:$0x3F9E];
	_ =	swait.ge [sflag:s4], $0x0  }
0x19: {  	s7 =	sld [smem:$0x3F9F]  }
0x1a: {  	s8 =	sadd.s32 $0xFFFFE003, lr  }
0x1b: {  	s9 =	sadd.s32 $0xFFFFFEF7, lr;
	s5 =	simm.s32 $0xFFFFFFFF;
	p2 =	slt.u32 s8, $0xFFFFF086  }
0x1c: {  	p1 =	slt.u32 s9, $0xF7A;
	s5 =	simm.s32 @!p2 $0x0  }
0x1d: {  	s5 =	simm.s32 @p1 $0x1;
	p0 =	seq.s32 s7, s2  }
0x1e: {  	s7 =	smul.u32 @!p0 $0xF7A, s2;
	p2 =	seq.s32 @!p0 s5, $0x0  }
0x1f: {  	s9 =	smul.u32 $0xF7A, s1;
	s8 =	simm.s32 @!p0 $0x1BF5;
	p2 =	por !p2, p0  }
0x20: {  	[sflag:s8] =	ssyncset.s32 @!p0 $0xFFFFF086;
	s6 =	sadd.s32 @!p0 s3, s7;
	s7 =	simm.s32 @!p0 $0x108  }
0x21: {  	s3 =	sadd.s32 s3, s9;
	s6 =	sadd.s32 @!p0 $0x88, s6;
	s7 =	simm.s32 @p2 $0x1082  }
0x22: {  	[simem:s7], [sflag:s8] =	dma.local @!p0 [hbm:s6], $0xF7A  }
0x23: {  	s9 =	sor.u32 $0xD0000000, s2;
	s6 =	simm.s32 $0x108;
	_ =	swait.ge @!p0 [sflag:s8], $0x0  }
0x24: {  	s3 =	sadd.s32 $0x88, s3;
	s6 =	simm.s32 @!p1 $0x1082;
	[sflag:s4] =	ssyncset.s32 $0xFFFFF086  }
0x25: {  	[simem:s6], [sflag:s4] =	dma.local [hbm:s3], $0xF7A  }
0x26: {  	[smem:$0x3F9F] =	sst s1;
	(tag) =	ssettag s2;
	_ =	strace s9  }
0x27: {  	s1 =	sld [smem:$0x3FAF]  }
0x28: {  	s2 =	sld [smem:$0x3FB0]  }
0x29: {  	s4 =	sld [smem:$0x3FB2]  }
0x2a: {  	p0 =	seq.s32 s5, $0x0;
	s5 =	sld [smem:$0x3FB3]  }
0x2b: {  	s6 =	sld [smem:$0x3FB4]  }
0x2c: {  	s7 =	sld [smem:$0x3FB5]  }
0x2d: {  	s3 =	simm.s32 $0x108;
	s8 =	sld [smem:$0x3FB6]  }
0x2e: {  	s3 =	simm.s32 @!p0 $0x1082;
	s9 =	sld [smem:$0x3FB7]  }
0x2f: {  	lr =	sadd.s32 s0, s3;
	s0 =	sld [smem:$0x3FAE]  }
0x30: {  	s3 =	sld [smem:$0x3FB1]  }
0x31: {  	[smem:$0x3FBA] =	sst s10  }
0x32: {  	s10 =	sld [smem:$0x3FB8];
	_ =	sdelay $0x3  }
0x33: {  	p0 =	seq.s32 s10, $0x1;
	s10 =	sld [smem:$0x3FBA];
	_ =	sdelay $0x3  }
0x34: {  	[smem:$0x3FBA] =	sst s10  }
0x35: {  	s10 =	sld [smem:$0x3FB9];
	_ =	sdelay $0x3  }
0x36: {  	p1 =	seq.s32 s10, $0x1;
	s10 =	sld [smem:$0x3FBA];
	_ =	sdelay $0x3  }
0x37: {  	[smem:$0x3FBA] =	sst s10  }
0x38: {  	s10 =	sld [smem:$0x3FBB]  }
0x39: {  	_ = 	snop;
	(pc) =	sbr.ind lr, $3  }
0x3a: {  	_ = 	snop  }
0x3b: {  	_ = 	snop  }
0x3c: {  	p2 =	seq.s32 s10, $0x1;
	s10 =	sld [smem:$0x3FBA]  }
0x3d: {  	_ =	shalt  }
0x3e: {  	_ =	shalt  }
0x3f: {  	_ =	shalt  }
0x40: {  	_ =	shalt  }
0x41: {  	_ =	shalt  }
0x42: {  	_ =	shalt  }
0x43: {  	_ =	shalt  }
0x44: {  	_ =	shalt  }
0x45: {  	_ =	shalt  }
0x46: {  	_ =	shalt  }
0x47: {  	_ =	shalt  }
0x48: {  	_ =	shalt  }
0x49: {  	_ =	shalt  }
0x4a: {  	_ =	shalt  }
0x4b: {  	_ =	shalt  }
0x4c: {  	_ =	shalt  }
0x4d: {  	_ =	shalt  }
0x4e: {  	_ =	shalt  }
0x4f: {  	_ =	shalt  }
0x50: {  	_ =	shalt  }
0x51: {  	_ =	shalt  }
0x52: {  	_ =	shalt  }
0x53: {  	_ =	shalt  }
0x54: {  	_ =	shalt  }
0x55: {  	_ =	shalt  }
0x56: {  	_ =	shalt  }
0x57: {  	_ =	shalt  }
0x58: {  	_ =	shalt  }
0x59: {  	_ =	shalt  }
0x5a: {  	_ =	shalt  }
0x5b: {  	_ =	shalt  }
0x5c: {  	_ =	shalt  }
0x5d: {  	_ =	shalt  }
0x5e: {  	_ =	shalt  }
0x5f: {  	_ =	shalt  }
0x60: {  	_ =	shalt  }
0x61: {  	_ =	shalt  }
0x62: {  	_ =	shalt  }
0x63: {  	_ =	shalt  }
0x64: {  	_ =	shalt  }
0x65: {  	_ =	shalt  }
0x66: {  	_ =	shalt  }
0x67: {  	_ =	shalt  }
0x68: {  	_ =	shalt  }
0x69: {  	_ =	shalt  }
0x6a: {  	_ =	shalt  }
0x6b: {  	_ =	shalt  }
0x6c: {  	_ =	shalt  }
0x6d: {  	_ =	shalt  }
0x6e: {  	_ =	shalt  }
0x6f: {  	_ =	shalt  }
0x70: {  	_ =	shalt  }
0x71: {  	_ =	shalt  }
0x72: {  	_ =	shalt  }
0x73: {  	_ =	shalt  }
0x74: {  	_ =	shalt  }
0x75: {  	_ =	shalt  }
0x76: {  	_ =	shalt  }
0x77: {  	_ =	shalt  }
0x78: {  	_ =	shalt  }
0x79: {  	_ =	shalt  }
0x7a: {  	_ =	shalt  }
0x7b: {  	_ =	shalt  }
0x7c: {  	_ =	shalt  }
0x7d: {  	_ =	shalt  }
0x7e: {  	_ =	shalt  }
0x7f: {  	_ =	shalt  }
0x80: {  	_ =	shalt  }
0x81: {  	_ =	shalt  }
0x82: {  	_ =	shalt  }
0x83: {  	_ =	shalt  }
0x84: {  	_ =	shalt  }
0x85: {  	_ =	shalt  }
0x86: {  	_ =	shalt  }
0x87: {  	_ =	shalt  }
.Lfunc_end0:
.L_simem_size_0:
called_computation_lowered:
.L_overlay_start_0:
0x88: {  	s2 =	sld [smem:$0x3FD9]  }
0x89: {  	s3 =	sld [smem:$0x3FFE];
	_ =	sdelay $0x1  }
0x8a: {  	s1 =	srdreg.scid  }
0x8b: {  	s0 =	sand.u32 $0x1, s1  }
0x8c: {  	s17 =	sshll.u32 s0, $0xA;
	s2 =	sadd.s32 s3, s2  }
0x8d: {  	s2 =	sadd.s32 s2, s17  }
0x8e: {  	[smem:$0x3FC6] =	sst s2  }
0x8f: {  	_ = 	snop  }
0x90: {  	s2 =	sld [smem:$0x3FD0];
	(tm) =	ssettm $0x1  }
0x91: {  	s18 =	sld [smem:$0x3FFB];
	_ =	sdelay $0x3  }
0x92: {  	_ =	strace s18  }
0x93: {  	s3 =	sld [smem:$0x3FFC];
	_ =	sdelay $0x3  }
0x94: {  	_ =	strace s3  }
0x95: {  	s3 =	sld [smem:$0x3FFD];
	_ =	sdelay $0x3  }
0x96: {  	_ =	strace s3  }
0x97: {  	_ =	strace $0x8FFFFFFF  }
0x98: {  	s19 =	sld [smem:$0x3FDB];
	_ =	sdelay $0x1  }
0x99: {  	s4 =	simm.s32 $_scs_section_size  }
0x9a: {  	s5 =	simm.s32 $_size__tile_overlayer_lowered;
	s6 =	simm.s32 $_tile_overlayer_lowered  }
0x9b: {  	s22 =	simm.s32 $0x1BFF;
	s21 =	sshll.u32 s6, $0x1;
	s3 =	sadd.s32 s4, s19  }
0x9c: {  	s7 =	simm.s32 $0x0;
	s20 =	sshll.u32 s5, $0x1;
	s5 =	sadd.s32 s21, s3  }
0x9d: {  	[timem:s7], [sflag:s22] =	dma.local [hbm:s5], s20  }
0x9e: {  	_ =	swait.ge [sflag:s22], s20  }
0x9f: {  	s4 =	ssub.s32 $0x0, s20;
	[sflag:s22] =	ssyncset.done $0x0  }
0xa0: {  	[sflag:s22] =	ssyncadd.s32 s4;
	_ =	sdelay $0x1  }
0xa1: {  	s23 =	simm.s32 $0x1B8B  }
0xa2: {  	_ =	swait.ge [sflag:s23], $0x1  }
0xa3: {  	[sflag:s23] =	ssyncset.done $0x0  }
0xa4: {  	s25 =	simm.s32 $0x1B8E;
	s24 =	sld [smem:$0x3FFE];
	[sflag:s23] =	ssyncadd.s32 $0xFFFFFFFF  }
0xa5: {  	s26 =	simm.s32 $execute0_lowered;
	[smem:$0x3FD2] =	sst s25  }
0xa6: {  	s5 =	sshll.u32 s26, $0x1;
	_ =	strace $0x80000046;
	[dreg:$0x1] =	wrdreg $0xFFFFFFFF  }
0xa7: {  	s28 =	simm.s32 $_size_execute0_lowered;
	s3 =	sadd.s32 s3, s5;
	[dreg:$0x0] =	wrdreg $0x0  }
0xa8: {  	s5 =	sshll.u32 s28, $0x1;
	[dreg:$0x2] =	wrdreg s3  }
0xa9: {  	[dreg:$0x3] =	wrdreg s5  }
0xaa: {  	[dreg:$0x4] =	wrdreg $0xC0  }
0xab: {  	_ =	task [dreg:s7], $0x5FFFF  }
0xac: {  	[dreg:$0x1] =	wrdreg $0xFFFFFFFF  }
0xad: {  	[dreg:$0x0] =	wrdreg $0x60  }
0xae: {  	[dreg:$0x2] =	wrdreg s2  }
0xaf: {  	[dreg:$0x3] =	wrdreg s24  }
0xb0: {  	[dreg:$0x4] =	wrdreg $0x9  }
0xb1: {  	_ =	task.clear_ibuf [dreg:s7], $0x5FFFF;
	_ =	strace $0x90000046  }
0xb2: {  	s29 =	simm.s32 $0x9;
	_ =	strace $0x80000048  }
0xb3: {  	_ =	swait.ge [sflag:s29], $0x1  }
0xb4: {  	[sflag:s29] =	ssyncadd.s32 $0xFFFFFFFF  }
0xb5: {  	_ =	strace $0x90000048  }
0xb6: {  	_ =	sfence  }
0xb7: {  	s30 =	sld [smem:$0x0];
	_ =	sdelay $0x2  }
0xb8: {  	s31 =	sshll.u32 s1, $0xD;
	s1 =	sshrl.u32 s1, $0x2  }
0xb9: {  	s3 =	sand.u32 $0x4000, s31;
	s1 =	sadd.s32 s1, s30  }
0xba: {  	s0 =	sor.u32 s3, s0;
	s1 =	sshll.u32 s1, $0x11  }
0xbb: {  	s0 =	sor.u32 s1, s0  }
0xbc: {  	s0 =	sadd.s32 $0x8F2B, s0  }
0xbd: {  	[sflag:s0] =	ssyncadd.remote.s32 $0x1  }
0xbe: {  	_ =	sfence.sel $0xFFFF  }
0xbf: {  	[dreg:$0x0] =	wrdreg $0xFFFFFFFF;
	(pc) =	sbr.abs _section_cstart, $3  }
0xc0: {  	[dreg:$0x1] =	wrdreg $0xFFFFFFFF  }
0xc1: {  	_ =	task.clear_ibuf [dreg:s7], $0x2FFFF;
	_ =	strace $0x9FFFFFFF  }
0xc2: {  	(tm) =	ssettm $0x7FFFFFFF  }
0xc3: {  	_ =	shalt  }
tec
execute0_lowered:
.L_overlay_start_1:
0x0: {  	(tag) =	ssettag $0x1  }
0x1: {  	s1 =	srdreg.scid;
	s0 =	stileid.u32  }
0x2: {  	s25 =	sand.u32 $0x1, s1;
	s31 =	sshll.u32 s0, $0x1  }
0x3: {  	s2 =	rddreg [dreg:$0x0];
	s26 =	sor.u32 s25, s31  }
0x4: {  	s24 =	rddreg [dreg:$0x1];
	s4 =	smul.u32 $0x90, s26  }
0x5: {  	s3 =	simm.s32 $0x0;
	s1 =	rddreg [dreg:$0x2]  }
0x6: {  	[smem:$0x7FF] =	sst s3;
	s4 =	sadd.s32 s4, s24  }
0x7: {  	_ =	strace $0x80000047;
	s5 =	sadd.s32 $0xA00, s4;
	s4 =	simm.s32 $0x2  }
0x8: {  	[tilespmem:s3], [sflag:$0x2] =	stream.linear.gather [hbm4b:s5+s3], $0x480, $0x38;
	[tilespmem:$0x12480] =	vst v63  }
0x9: {  	_ =	swait.ge [sflag:s4], $0x480  }
0xa: {  	[sflag:s4] =	ssyncset.done $0x0  }
0xb: {  	s6 =	simm.s32 $0x80;
	s7 =	simm.s32 $0x480;
	[sflag:s4] =	ssyncadd.s32 $0xFFFFFB80  }
0xc: {  	[tilespmem:s7], [sflag:$0x1] =	stream.indirect.gather [hbm4b:s2+s6], $0x40, s3, s6, $0xb8;
	[tilespmem:$0x12480] =	vst v63  }
0xd: {  	s8 =	simm.s32 $0x2480  }
0xe: {  	[tilespmem:s8], [sflag:$0x1] =	stream.indirect.gather [hbm4b:s2+s6], $0x40, s6, s6, $0xb8;
	[tilespmem:$0x12480] =	vst v63  }
0xf: {  	s9 =	simm.s32 $0x100;
	s10 =	simm.s32 $0x4480  }
0x10: {  	[tilespmem:s10], [sflag:$0x1] =	stream.indirect.gather [hbm4b:s2+s6], $0x40, s9, s6, $0xb8;
	[tilespmem:$0x12480] =	vst v63  }
0x11: {  	s11 =	simm.s32 $0x180;
	s12 =	simm.s32 $0x6480  }
0x12: {  	[tilespmem:s12], [sflag:$0x1] =	stream.indirect.gather [hbm4b:s2+s6], $0x40, s11, s6, $0xb8;
	[tilespmem:$0x12480] =	vst v63  }
0x13: {  	s13 =	simm.s32 $0x200;
	s14 =	simm.s32 $0x8480  }
0x14: {  	[tilespmem:s14], [sflag:$0x1] =	stream.indirect.gather [hbm4b:s2+s6], $0x40, s13, s6, $0xb8;
	[tilespmem:$0x12480] =	vst v63  }
0x15: {  	s15 =	simm.s32 $0x280;
	s16 =	simm.s32 $0xA480  }
0x16: {  	[tilespmem:s16], [sflag:$0x1] =	stream.indirect.gather [hbm4b:s2+s6], $0x40, s15, s6, $0xb8;
	[tilespmem:$0x12480] =	vst v63  }
0x17: {  	s17 =	simm.s32 $0x300;
	s18 =	simm.s32 $0xC480  }
0x18: {  	[tilespmem:s18], [sflag:$0x1] =	stream.indirect.gather [hbm4b:s2+s6], $0x40, s17, s6, $0xb8;
	[tilespmem:$0x12480] =	vst v63  }
0x19: {  	s19 =	simm.s32 $0x380;
	s20 =	simm.s32 $0xE480  }
0x1a: {  	[tilespmem:s20], [sflag:$0x1] =	stream.indirect.gather [hbm4b:s2+s6], $0x40, s19, s6, $0xb8;
	[tilespmem:$0x12480] =	vst v63  }
0x1b: {  	s21 =	simm.s32 $0x400;
	s22 =	simm.s32 $0x10480;
	s23 =	simm.s32 $0x1  }
0x1c: {  	[tilespmem:s22], [sflag:$0x1] =	stream.indirect.gather [hbm4b:s2+s6], $0x40, s21, s6, $0xb8;
	[tilespmem:$0x12480] =	vst v63  }
0x1d: {  	_ =	swait.ge [sflag:s23], $0x2000  }
0x1e: {  	[sflag:s23] =	ssyncset.done $0x0  }
0x1f: {  	[sflag:s23] =	ssyncadd.s32 $0xFFFFE000  }
0x20: {  	_ =	swait.ge [sflag:s23], $0x2000  }
0x21: {  	[sflag:s23] =	ssyncset.done $0x0  }
0x22: {  	[sflag:s23] =	ssyncadd.s32 $0xFFFFE000  }
0x23: {  	_ =	swait.ge [sflag:s23], $0x2000  }
0x24: {  	[sflag:s23] =	ssyncset.done $0x0  }
0x25: {  	[sflag:s23] =	ssyncadd.s32 $0xFFFFE000  }
0x26: {  	_ =	swait.ge [sflag:s23], $0x2000  }
0x27: {  	[sflag:s23] =	ssyncset.done $0x0  }
0x28: {  	[sflag:s23] =	ssyncadd.s32 $0xFFFFE000  }
0x29: {  	_ =	swait.ge [sflag:s23], $0x2000  }
0x2a: {  	[sflag:s23] =	ssyncset.done $0x0  }
0x2b: {  	[sflag:s23] =	ssyncadd.s32 $0xFFFFE000  }
0x2c: {  	_ =	swait.ge [sflag:s23], $0x2000  }
0x2d: {  	[sflag:s23] =	ssyncset.done $0x0  }
0x2e: {  	[sflag:s23] =	ssyncadd.s32 $0xFFFFE000  }
0x2f: {  	_ =	swait.ge [sflag:s23], $0x2000  }
0x30: {  	[sflag:s23] =	ssyncset.done $0x0  }
0x31: {  	s25 =	ssub.s32 $0x2, s25;
	[sflag:s23] =	ssyncadd.s32 $0xFFFFE000  }
0x32: {  	s28 =	sshrl.u32 s25, $0x1;
	_ =	swait.ge [sflag:s23], $0x2000  }
0x33: {  	s25 =	ssub.s32 s25, s28;
	[sflag:s23] =	ssyncset.done $0x0  }
0x34: {  	s26 =	smul.u32 $0x2400, s26;
	s25 =	smax.u32 s25, $0x1;
	[sflag:s23] =	ssyncadd.s32 $0xFFFFE000  }
0x35: {  	p0 =	sne.s32 s25, $0x1;
	_ =	swait.ge [sflag:s23], $0x2000  }
.Ltmp0:
0x36: {  	s24 =	sadd.s32 s26, s24;
	[sflag:s23] =	ssyncset.done $0x0;
	(pc) =	sbr.rel @!p0 .LBB2_2-.Ltmp0, $4  }
0x37: {  	s24 =	sadd.s32 $0x1C00, s24;
	[sflag:s23] =	ssyncadd.s32 $0xFFFFE000  }
0x38: {  	[hbm4b:s24+s3] =	stream.linear.scatter [tilespmem:s7], [sflag:$0x2], $0x12000, $0x38;
	[tilespmem:$0x12480] =	vst v63  }
0x39: {  	_ =	swait.ge [sflag:s4], $0x12000  }
0x3a: {  	s25 =	sadd.s32 $0xFFFFFFFF, s25;
	[sflag:s4] =	ssyncset.done $0x0  }
.LBB2_1:
0x3b: {  	p0 =	sne.s32 s25, $0x1;
	s25 =	sadd.s32 $0xFFFFFFFF, s25;
	[sflag:s4] =	ssyncadd.s32 $0xFFFEE000  }
0x3c: {  	[tilespmem:s3], [sflag:$0x2] =	stream.linear.gather [hbm4b:s5+s3], $0x480, $0x38;
	[tilespmem:$0x12480] =	vst v63  }
0x3d: {  	_ =	swait.ge [sflag:s4], $0x480  }
0x3e: {  	[sflag:s4] =	ssyncset.done $0x0  }
0x3f: {  	[sflag:s4] =	ssyncadd.s32 $0xFFFFFB80  }
0x40: {  	[tilespmem:s7], [sflag:$0x1] =	stream.indirect.gather [hbm4b:s2+s6], $0x40, s3, s6, $0xb8;
	[tilespmem:$0x12480] =	vst v63  }
0x41: {  	_ = 	snop  }
0x42: {  	[tilespmem:s8], [sflag:$0x1] =	stream.indirect.gather [hbm4b:s2+s6], $0x40, s6, s6, $0xb8;
	[tilespmem:$0x12480] =	vst v63  }
0x43: {  	_ = 	snop  }
0x44: {  	[tilespmem:s10], [sflag:$0x1] =	stream.indirect.gather [hbm4b:s2+s6], $0x40, s9, s6, $0xb8;
	[tilespmem:$0x12480] =	vst v63  }
0x45: {  	_ = 	snop  }
0x46: {  	[tilespmem:s12], [sflag:$0x1] =	stream.indirect.gather [hbm4b:s2+s6], $0x40, s11, s6, $0xb8;
	[tilespmem:$0x12480] =	vst v63  }
0x47: {  	_ = 	snop  }
0x48: {  	[tilespmem:s14], [sflag:$0x1] =	stream.indirect.gather [hbm4b:s2+s6], $0x40, s13, s6, $0xb8;
	[tilespmem:$0x12480] =	vst v63  }
0x49: {  	_ = 	snop  }
0x4a: {  	[tilespmem:s16], [sflag:$0x1] =	stream.indirect.gather [hbm4b:s2+s6], $0x40, s15, s6, $0xb8;
	[tilespmem:$0x12480] =	vst v63  }
0x4b: {  	_ = 	snop  }
0x4c: {  	[tilespmem:s18], [sflag:$0x1] =	stream.indirect.gather [hbm4b:s2+s6], $0x40, s17, s6, $0xb8;
	[tilespmem:$0x12480] =	vst v63  }
0x4d: {  	_ = 	snop  }
0x4e: {  	[tilespmem:s20], [sflag:$0x1] =	stream.indirect.gather [hbm4b:s2+s6], $0x40, s19, s6, $0xb8;
	[tilespmem:$0x12480] =	vst v63  }
0x4f: {  	_ = 	snop  }
0x50: {  	[tilespmem:s22], [sflag:$0x1] =	stream.indirect.gather [hbm4b:s2+s6], $0x40, s21, s6, $0xb8;
	[tilespmem:$0x12480] =	vst v63  }
0x51: {  	_ =	swait.ge [sflag:s23], $0x2000  }
0x52: {  	[sflag:s23] =	ssyncset.done $0x0  }
0x53: {  	[sflag:s23] =	ssyncadd.s32 $0xFFFFE000  }
0x54: {  	_ =	swait.ge [sflag:s23], $0x2000  }
0x55: {  	[sflag:s23] =	ssyncset.done $0x0  }
0x56: {  	[sflag:s23] =	ssyncadd.s32 $0xFFFFE000  }
0x57: {  	_ =	swait.ge [sflag:s23], $0x2000  }
0x58: {  	[sflag:s23] =	ssyncset.done $0x0  }
0x59: {  	[sflag:s23] =	ssyncadd.s32 $0xFFFFE000  }
0x5a: {  	_ =	swait.ge [sflag:s23], $0x2000  }
0x5b: {  	[sflag:s23] =	ssyncset.done $0x0  }
0x5c: {  	[sflag:s23] =	ssyncadd.s32 $0xFFFFE000  }
0x5d: {  	_ =	swait.ge [sflag:s23], $0x2000  }
0x5e: {  	[sflag:s23] =	ssyncset.done $0x0  }
0x5f: {  	[sflag:s23] =	ssyncadd.s32 $0xFFFFE000  }
0x60: {  	_ =	swait.ge [sflag:s23], $0x2000  }
0x61: {  	[sflag:s23] =	ssyncset.done $0x0  }
0x62: {  	[sflag:s23] =	ssyncadd.s32 $0xFFFFE000  }
0x63: {  	_ =	swait.ge [sflag:s23], $0x2000  }
0x64: {  	[sflag:s23] =	ssyncset.done $0x0  }
0x65: {  	[sflag:s23] =	ssyncadd.s32 $0xFFFFE000  }
0x66: {  	_ =	swait.ge [sflag:s23], $0x2000  }
0x67: {  	[sflag:s23] =	ssyncset.done $0x0  }
0x68: {  	[sflag:s23] =	ssyncadd.s32 $0xFFFFE000  }
0x69: {  	_ =	swait.ge [sflag:s23], $0x2000  }
.Ltmp1:
0x6a: {  	[sflag:s23] =	ssyncset.done $0x0;
	(pc) =	sbr.rel @p0 .LBB2_1-.Ltmp1, $4  }
0x6b: {  	[sflag:s23] =	ssyncadd.s32 $0xFFFFE000  }
0x6c: {  	[hbm4b:s24+s3] =	stream.linear.scatter [tilespmem:s7], [sflag:$0x2], $0x12000, $0x38;
	[tilespmem:$0x12480] =	vst v63  }
0x6d: {  	_ =	swait.ge [sflag:s4], $0x12000  }
0x6e: {  	[sflag:s4] =	ssyncset.done $0x0  }
.LBB2_2:
0x6f: {  	[sflag:s4] =	ssyncadd.s32 $0xFFFEE000  }
0x70: {  	_ =	sfence.sel $0x180000  }
0x71: {  	[bflag:$0x0] =	sbarrier.arrive $0xFFFF  }
0x72: {  	p0 =	sne.s32 s0, $0x0;
	_ =	strace $0x90000047  }
0x73: {  	s0 =	sadd.s32 @!p0 $0x100000, s1;
	[bflag:$0x2] =	sbarrier.arrive $0xFFFF  }
0x74: {  	[sflag:s0] =	ssyncadd.tile.s32 @!p0 $0x1;
	_ =	shalt  }
.Lfunc_end2:
_tile_overlayer_lowered:
.L_overlay_start_2:
0x75: {  	(tag) =	ssettag $0x2  }
0x76: {  	s0 =	rddreg [dreg:$0x0];
	s2 =	stileid.u32  }
0x77: {  	s1 =	rddreg [dreg:$0x1];
	p0 =	sne.s32 s2, $0x0  }
0x78: {  	s3 =	rddreg [dreg:$0x2];
	[bflag:$0x3] =	sbarrier.arrive $0xFFFF;
	s2 =	simm.s32 @!p0 $0x1C02  }
0x79: {  	[timem:s3], [sflag:s2] =	dma.local @!p0 [hbm:s0], s1  }
0x7a: {  	s0 =	simm.s32 @!p0 $0x2  }
0x7b: {  	_ =	swait.ge @!p0 [sflag:s0], s1  }
0x7c: {  	s1 =	ssub.s32 @!p0 $0x0, s1;
	[sflag:s0] =	ssyncset.done @!p0 $0x0  }
0x7d: {  	[sflag:s0] =	ssyncadd.s32 @!p0 s1  }
0x7e: {  	[bflag:$0x3] =	sbarrier.arrive $0xFFFF  }
0x7f: {  	_ =	shalt  }

</sc_bundles>
